<compile_context>
chip_gen: v7x
topology: tpu7x:2x2x1
jax: 0.10.2.dev20260603
libtpu: 0.0.44.dev20260713+nightly
codegen_flags: <defaults>
</compile_context>

<pallas_src>
import functools

import jax
import jax.numpy as jnp
from jax import lax
from jax.experimental import pallas as pl
from jax.experimental.pallas import tpu as pltpu
from jax.experimental.pallas import tpu_sc as plsc

N = 10000
D = 128
C = 41

NP = 10240
CP = 48
DW = 8
L = 128
NW = 32
NB = 80
EPAD = NW * NB * L
SLAB = NP // 16
NBC = NB * 2

_mesh = plsc.VectorSubcoreMesh(core_axis_name="c", subcore_axis_name="s")
_mesh1 = plsc.VectorSubcoreMesh(
    core_axis_name="c", subcore_axis_name="s", num_cores=1)
_sc_params = pltpu.CompilerParams(use_tc_tiling_on_sc=False, needs_layout_passes=False)


@functools.partial(
    pl.kernel,
    out_type=jax.ShapeDtypeStruct((2 * NP, DW), jnp.float32),
    mesh=_mesh,
    scratch_types=[
        pltpu.VMEM((NB, L), jnp.int32),
        pltpu.VMEM((L, DW), jnp.float32),
        pltpu.VMEM_SHARED((NP, DW), jnp.float32),
        pltpu.SemaphoreType.DMA,
    ],
    compiler_params=_sc_params,
)
def _deg_kernel(e_hbm, ones_hbm, zeros_hbm, out_hbm, dst_v, ones_v, deg_sh,
                sem):
    cid = lax.axis_index("c")
    sid = lax.axis_index("s")
    wid = cid * 16 + sid

    pltpu.sync_copy(e_hbm.at[1, pl.ds(wid * NB, NB)], dst_v)
    pltpu.sync_copy(ones_hbm, ones_v)
    pltpu.sync_copy(zeros_hbm, deg_sh.at[pl.ds(sid * SLAB, SLAB)])
    plsc.subcore_barrier()

    @pl.loop(0, NB)
    def _(j):
        pltpu.async_copy(ones_v, deg_sh.at[dst_v.at[j]], sem, add=True)

    @pl.loop(0, NB)
    def _(j):
        pltpu.make_async_copy(ones_v, deg_sh.at[dst_v.at[j]], sem).wait()

    plsc.subcore_barrier()
    pltpu.sync_copy(
        deg_sh.at[pl.ds(sid * SLAB, SLAB)],
        out_hbm.at[pl.ds(cid * NP + sid * SLAB, SLAB)],
    )


CSZ = SLAB // 2


@functools.partial(
    pl.kernel,
    out_type=jax.ShapeDtypeStruct((2 * NP, CP), jnp.float32),
    mesh=_mesh,
    scratch_types=[
        pltpu.VMEM((NB, L), jnp.int32),
        pltpu.VMEM((NB, L), jnp.int32),
        pltpu.VMEM((2, L, CP), jnp.float32),
        pltpu.VMEM((CSZ, CP), jnp.float32),
        pltpu.VMEM((CSZ * DW // 16, 16), jnp.float32),
        pltpu.VMEM((CSZ * DW // 16, 16), jnp.float32),
        pltpu.VMEM((SLAB * DW,), jnp.float32),
        pltpu.VMEM_SHARED((NP, CP), jnp.float32),
        pltpu.VMEM_SHARED((NP, CP), jnp.float32),
        pltpu.SemaphoreType.DMA((2,)),
        pltpu.SemaphoreType.DMA((2,)),
    ],
    compiler_params=_sc_params,
)
def _agg_kernel(xw_hbm, deg_hbm, e_hbm, zeros_hbm, out_hbm,
                src_v, dst_v, rows_v, xw_v, d0_v, d1_v, dinv_v,
                y_sh, agg_sh, gsem, ssem):
    cid = lax.axis_index("c")
    sid = lax.axis_index("s")
    wid = cid * 16 + sid
    K = 2
    NV = CSZ * DW // 16

    pltpu.sync_copy(e_hbm.at[0, pl.ds(wid * NB, NB)], src_v)
    pltpu.sync_copy(e_hbm.at[1, pl.ds(wid * NB, NB)], dst_v)

    for q in range(2):
        base = sid * SLAB + q * CSZ
        pltpu.sync_copy(deg_hbm.at[pl.ds(base * DW // 16, NV)], d0_v)
        pltpu.sync_copy(deg_hbm.at[pl.ds((NP + base) * DW // 16, NV)], d1_v)
        pltpu.sync_copy(xw_hbm.at[pl.ds(base, CSZ)], xw_v)

        @pl.loop(0, NV)
        def _(v):
            d = d0_v[v] + d1_v[v] + 1.0
            i = plsc.bitcast(d, jnp.int32)
            yk = plsc.bitcast(jnp.int32(0x5F3759DF) - (i >> 1), jnp.float32)
            for _ in range(3):
                yk = yk * (1.5 - 0.5 * d * yk * yk)
            dinv_v[pl.ds(q * CSZ * DW + v * 16, 16)] = yk

        @pl.loop(0, CSZ)
        def _(r):
            idx = (lax.iota(jnp.int32, 16) * 0
                   + (q * CSZ + r) * DW).astype(jnp.int32)
            yk = plsc.load_gather(dinv_v, [idx])
            for c in range(3):
                xw_v[r, pl.ds(16 * c, 16)] = xw_v[r, pl.ds(16 * c, 16)] * yk

        pltpu.sync_copy(xw_v, y_sh.at[pl.ds(base, CSZ)])

        @pl.when(cid == 0)
        def _():
            pltpu.sync_copy(xw_v, agg_sh.at[pl.ds(base, CSZ)])

        @pl.when(cid != 0)
        def _():
            pltpu.sync_copy(zeros_hbm.at[pl.ds(q * CSZ, CSZ)],
                            agg_sh.at[pl.ds(base, CSZ)])

    plsc.subcore_barrier()

    for b in range(K):
        pltpu.async_copy(y_sh.at[src_v.at[b]], rows_v.at[b], gsem.at[b])

    @pl.loop(0, NB)
    def _(j):
        b = j % K
        bp = (j + K - 1) % K
        @pl.when(j >= 1)
        def _():
            jm = j - 1
            pltpu.make_async_copy(
                rows_v.at[bp], agg_sh.at[dst_v.at[jm]], ssem.at[bp]).wait()

            @pl.when(j + K - 1 < NB)
            def _():
                pltpu.async_copy(
                    y_sh.at[src_v.at[j + K - 1]], rows_v.at[bp],
                    gsem.at[bp])

        pltpu.make_async_copy(
            y_sh.at[src_v.at[j]], rows_v.at[b], gsem.at[b]).wait()
        pltpu.async_copy(rows_v.at[b], agg_sh.at[dst_v.at[j]], ssem.at[b],
                         add=True)

    bl = (NB - 1) % K
    pltpu.make_async_copy(
        rows_v.at[bl], agg_sh.at[dst_v.at[NB - 1]], ssem.at[bl]).wait()
    plsc.subcore_barrier()

    for q in range(2):
        base = sid * SLAB + q * CSZ
        pltpu.sync_copy(agg_sh.at[pl.ds(base, CSZ)], xw_v)

        @pl.loop(0, CSZ)
        def _(r):
            idx = (lax.iota(jnp.int32, 16) * 0
                   + (q * CSZ + r) * DW).astype(jnp.int32)
            yk = plsc.load_gather(dinv_v, [idx])
            for c in range(3):
                xw_v[r, pl.ds(16 * c, 16)] = xw_v[r, pl.ds(16 * c, 16)] * yk

        pltpu.sync_copy(xw_v, out_hbm.at[pl.ds(cid * NP + base, CSZ)])


def _xw_body(x_ref, w_ref, xw_ref):
    xw_ref[...] = jnp.dot(
        x_ref[...], w_ref[...], preferred_element_type=jnp.float32)


_RB = 2048


def _run_xw(x, w_pad):
    return pl.pallas_call(
        _xw_body,
        grid=(NP // _RB,),
        in_specs=[
            pl.BlockSpec((_RB, D), lambda i: (i, 0)),
            pl.BlockSpec((D, CP), lambda i: (0, 0)),
        ],
        out_specs=pl.BlockSpec((_RB, CP), lambda i: (i, 0)),
        out_shape=jax.ShapeDtypeStruct((NP, CP), jnp.float32),
    )(x, w_pad)


def _fin_body(a0_ref, a1_ref, b_ref, out_ref, z_ref):
    o = a0_ref[0] + a1_ref[0] + b_ref[...]
    col = lax.broadcasted_iota(jnp.int32, o.shape, 1)
    valid = col < C
    neg = jnp.float32(-1e30)
    m = jnp.max(jnp.where(valid, o, neg), axis=1, keepdims=True)
    s = jnp.sum(jnp.where(valid, jnp.exp(o - m), 0.0), axis=1, keepdims=True)
    z = o - (m + jnp.log(s))
    out_ref[...] = o[:, :C]
    z_ref[...] = z[:, :C]


_RF = 2000


def _run_fin(aggp3, b_pad):
    return pl.pallas_call(
        _fin_body,
        grid=(N // _RF,),
        in_specs=[
            pl.BlockSpec((1, _RF, CP), lambda i: (0, i, 0)),
            pl.BlockSpec((1, _RF, CP), lambda i: (1, i, 0)),
            pl.BlockSpec((1, CP), lambda i: (0, 0)),
        ],
        out_specs=[
            pl.BlockSpec((_RF, C), lambda i: (i, 0)),
            pl.BlockSpec((_RF, C), lambda i: (i, 0)),
        ],
        out_shape=[
            jax.ShapeDtypeStruct((N, C), jnp.float32),
            jax.ShapeDtypeStruct((N, C), jnp.float32),
        ],
    )(aggp3, aggp3, b_pad)


def kernel(x, edge_index, W, b):
    E = edge_index.shape[1]
    e3 = jnp.pad(
        edge_index.astype(jnp.int32), ((0, 0), (0, EPAD - E)),
        constant_values=N,
    ).reshape(2, NW * NB, L)

    w_pad = jnp.zeros((D, CP), jnp.float32).at[:, :C].set(W.astype(jnp.float32))
    b_pad = jnp.zeros((1, CP), jnp.float32).at[0, :C].set(b.astype(jnp.float32))

    ones_dw = jnp.ones((L, DW), jnp.float32)
    zeros_dw = jnp.zeros((SLAB, DW), jnp.float32)
    zeros_cp = jnp.zeros((SLAB, CP), jnp.float32)

    x_pad = jnp.zeros((NP, D), jnp.float32).at[:N].set(x.astype(jnp.float32))
    degp = _deg_kernel(e3, ones_dw, zeros_dw)
    xw = _run_xw(x_pad, w_pad)
    aggp = _agg_kernel(xw, degp.reshape(NP, 16), e3, zeros_cp)
    out, z = _run_fin(aggp.reshape(2, NP, CP), b_pad)
    return (out, z)

# --- scband reference (transcript-rebuilt; emitter-appended) ---
"""Pipeline reference for scband-gcn-61375082659924 (READ-ONLY COPY).

The authoritative reference and input builder live on the scoring server;
editing this copy changes nothing except your own understanding.
"""

import jax, jax.numpy as jnp
import numpy as np

N = 10000
E = 320000
D = 128
C = 41


def setup_inputs(seed: int = 0) -> dict:
    key = jax.random.key(seed)
    k1, k2, k3, k4 = jax.random.split(key, 4)
    x = jax.random.normal(k1, (N, D), dtype=jnp.float32)
    edge_index = jax.random.randint(k2, (2, E), 0, N)
    W = jax.random.normal(k3, (D, C), dtype=jnp.float32) * 0.05
    b = jnp.zeros((C,), dtype=jnp.float32)
    return {"x": x, "edge_index": edge_index, "W": W, "b": b}


def reference(x, edge_index, W, b):
    n = x.shape[0]
    src = edge_index[0]
    dst = edge_index[1]
    # add self-loops (GCNConv default add_self_loops=True)
    loop = jnp.arange(n, dtype=src.dtype)
    src = jnp.concatenate([src, loop], axis=0)
    dst = jnp.concatenate([dst, loop], axis=0)
    # linear transform first (in > out channels)
    xw = x @ W
    # symmetric normalization: deg computed on dst with unit edge weights
    ones = jnp.ones(src.shape[0], dtype=x.dtype)
    deg = jnp.zeros((n,), dtype=x.dtype).at[dst].add(ones)
    deg_inv_sqrt = jnp.where(deg > 0, jax.lax.rsqrt(jnp.maximum(deg, 1e-12)), 0.0)
    norm = deg_inv_sqrt[src] * deg_inv_sqrt[dst]
    # gather messages from src, scale, scatter-add into dst
    msgs = norm[:, None] * jnp.take(xw, src, axis=0)
    out = jnp.zeros((n, xw.shape[1]), dtype=x.dtype).at[dst].add(msgs)
    out = out + b
    # log_softmax over classes
    z = out - jax.scipy.special.logsumexp(out, axis=1, keepdims=True)
    return (out, z)

if __name__ == "__main__":
    import jax
    _d = setup_inputs()
    print(jax.jit(kernel)(*tuple(_d.values())))

</pallas_src>

<mosaic_0001>
#map = affine_map<(d0, d1) -> (0, 0, 0)>
#map1 = affine_map<(d0, d1) -> (0, 0)>
module attributes {stable_mosaic.version = 14 : i64} {
  func.func @_deg_kernel(%arg0: i32, %arg1: i32, %arg2: memref<2x2560x128xi32, #tpu.memory_space<hbm>>, %arg3: memref<128x8xf32, #tpu.memory_space<hbm>>, %arg4: memref<640x8xf32, #tpu.memory_space<hbm>>, %arg5: memref<20480x8xf32, #tpu.memory_space<hbm>>, %arg6: memref<80x128xi32, #tpu.memory_space<vmem>>, %arg7: memref<128x8xf32, #tpu.memory_space<vmem>>, %arg8: memref<10240x8xf32, #tpu.memory_space<vmem_shared>>, %arg9: memref<!tpu.dma_semaphore, #tpu.memory_space<semaphore_mem>>) attributes {dimension_semantics = [#tpu.dimension_semantics<core_parallel>, #tpu.dimension_semantics<subcore_parallel>], iteration_bounds = array<i64: 2, 16>, scalar_prefetch = 0 : i64, scratch_operands = 4 : i64, tpu.core_type = #tpu.core_type<sc_vector_subcore>, window_params = [{transform_indices = #map}, {transform_indices = #map1}, {transform_indices = #map1}, {transform_indices = #map1}]} {
    %mul3A = arith.constant 16 : i32
    %mul3A_0 = arith.muli %arg0, %mul3A : i32
    %add3A = arith.addi %mul3A_0, %arg1 : i32
    %mul3A_1 = arith.constant 80 : i32
    %mul3A_2 = arith.muli %add3A, %mul3A_1 : i32
    %run_scoped3A = arith.constant 1 : i32
    "tpu.region"() ({
      %run_scoped3A_22 = tpu.sem_alloc : memref<!tpu.dma_semaphore, #tpu.memory_space<semaphore_mem>>
      %dma_start3A = arith.constant 0 : i32
      %dma_start3A_23 = tpu.memref_slice %arg2[%run_scoped3A, %mul3A_2, %dma_start3A] : memref<2x2560x128xi32, #tpu.memory_space<hbm>> -> memref<1x80x128xi32, #tpu.memory_space<hbm>>
      %dma_start3A_24 = tpu.memref_squeeze %dma_start3A_23 : memref<1x80x128xi32, #tpu.memory_space<hbm>> -> memref<80x128xi32, #tpu.memory_space<hbm>>
      %dma_start3A_25 = arith.constant 0 : i32
      %dma_start3A_26 = tpu.memref_slice %arg2[%run_scoped3A, %mul3A_2, %dma_start3A_25] : memref<2x2560x128xi32, #tpu.memory_space<hbm>> -> memref<1x80x128xi32, #tpu.memory_space<hbm>>
      %dma_start3A_27 = tpu.memref_squeeze %dma_start3A_26 : memref<1x80x128xi32, #tpu.memory_space<hbm>> -> memref<80x128xi32, #tpu.memory_space<hbm>>
      tpu.enqueue_dma source(%dma_start3A_27 : memref<80x128xi32, #tpu.memory_space<hbm>>) target(%arg6 : memref<80x128xi32, #tpu.memory_space<vmem>>) target_semaphore(%run_scoped3A_22 : memref<!tpu.dma_semaphore, #tpu.memory_space<semaphore_mem>>)
      %dma_wait3A = arith.constant 0 : i32
      %dma_wait3A_28 = tpu.memref_slice %arg2[%run_scoped3A, %mul3A_2, %dma_wait3A] : memref<2x2560x128xi32, #tpu.memory_space<hbm>> -> memref<1x80x128xi32, #tpu.memory_space<hbm>>
      %dma_wait3A_29 = tpu.memref_squeeze %dma_wait3A_28 : memref<1x80x128xi32, #tpu.memory_space<hbm>> -> memref<80x128xi32, #tpu.memory_space<hbm>>
      %dma_wait3A_30 = arith.constant 0 : i32
      %dma_wait3A_31 = tpu.memref_slice %arg2[%run_scoped3A, %mul3A_2, %dma_wait3A_30] : memref<2x2560x128xi32, #tpu.memory_space<hbm>> -> memref<1x80x128xi32, #tpu.memory_space<hbm>>
      %dma_wait3A_32 = tpu.memref_squeeze %dma_wait3A_31 : memref<1x80x128xi32, #tpu.memory_space<hbm>> -> memref<80x128xi32, #tpu.memory_space<hbm>>
      tpu.wait_dma2 semaphore(%run_scoped3A_22 : memref<!tpu.dma_semaphore, #tpu.memory_space<semaphore_mem>>) src(%dma_wait3A_32 : memref<80x128xi32, #tpu.memory_space<hbm>>) dst(%arg6 : memref<80x128xi32, #tpu.memory_space<vmem>>)
      tpu.yield
    }) : () -> ()
    "tpu.region"() ({
      %run_scoped3A_22 = tpu.sem_alloc : memref<!tpu.dma_semaphore, #tpu.memory_space<semaphore_mem>>
      tpu.enqueue_dma source(%arg3 : memref<128x8xf32, #tpu.memory_space<hbm>>) target(%arg7 : memref<128x8xf32, #tpu.memory_space<vmem>>) target_semaphore(%run_scoped3A_22 : memref<!tpu.dma_semaphore, #tpu.memory_space<semaphore_mem>>)
      tpu.wait_dma2 semaphore(%run_scoped3A_22 : memref<!tpu.dma_semaphore, #tpu.memory_space<semaphore_mem>>) src(%arg3 : memref<128x8xf32, #tpu.memory_space<hbm>>) dst(%arg7 : memref<128x8xf32, #tpu.memory_space<vmem>>)
      tpu.yield
    }) : () -> ()
    %mul3A_3 = arith.constant 640 : i32
    %mul3A_4 = arith.muli %arg1, %mul3A_3 : i32
    "tpu.region"() ({
      %run_scoped3A_22 = tpu.sem_alloc : memref<!tpu.dma_semaphore, #tpu.memory_space<semaphore_mem>>
      %dma_start3A = arith.constant 0 : i32
      %dma_start3A_23 = tpu.memref_slice %arg8[%mul3A_4, %dma_start3A] : memref<10240x8xf32, #tpu.memory_space<vmem_shared>> -> memref<640x8xf32, #tpu.memory_space<vmem_shared>>
      tpu.enqueue_dma source(%arg4 : memref<640x8xf32, #tpu.memory_space<hbm>>) target(%dma_start3A_23 : memref<640x8xf32, #tpu.memory_space<vmem_shared>>) target_semaphore(%run_scoped3A_22 : memref<!tpu.dma_semaphore, #tpu.memory_space<semaphore_mem>>)
      %dma_wait3A = arith.constant 0 : i32
      %dma_wait3A_24 = tpu.memref_slice %arg8[%mul3A_4, %dma_wait3A] : memref<10240x8xf32, #tpu.memory_space<vmem_shared>> -> memref<640x8xf32, #tpu.memory_space<vmem_shared>>
      tpu.wait_dma2 semaphore(%run_scoped3A_22 : memref<!tpu.dma_semaphore, #tpu.memory_space<semaphore_mem>>) src(%arg4 : memref<640x8xf32, #tpu.memory_space<hbm>>) dst(%dma_wait3A_24 : memref<640x8xf32, #tpu.memory_space<vmem_shared>>)
      tpu.yield
    }) : () -> ()
    %barrier3A = arith.constant 0 : index
    tpu.barrier barrier_id(%barrier3A)
    %scan3A = arith.constant 0 : i32
    %scan3A_5 = arith.constant 80 : i32
    %scan3A_6 = arith.addi %scan3A, %scan3A_5 : i32
    %scan3A_7 = arith.constant 1 : i32
    scf.for %scan3A_22 = %scan3A to %scan3A_6 step %scan3A_7  : i32 {
      %mul3A_23 = arith.constant 1 : i32
      %mul3A_24 = arith.muli %scan3A_22, %mul3A_23 : i32
      %add3A_25 = arith.constant 0 : i32
      %add3A_26 = arith.addi %add3A_25, %mul3A_24 : i32
      %dma_start3A = arith.constant 0 : i32
      %dma_start3A_27 = tpu.memref_slice %arg6[%add3A_26, %dma_start3A] : memref<80x128xi32, #tpu.memory_space<vmem>> -> memref<1x128xi32, #tpu.memory_space<vmem>>
      %dma_start3A_28 = tpu.memref_squeeze %dma_start3A_27 : memref<1x128xi32, #tpu.memory_space<vmem>> -> memref<128xi32, #tpu.memory_space<vmem>>
      %dma_start3A_29 = arith.constant 0 : i32
      %dma_start3A_30 = arith.constant 0 : i32
      %dma_start3A_31 = tpu.memref_slice %arg8[%dma_start3A_29, %dma_start3A_30] : memref<10240x8xf32, #tpu.memory_space<vmem_shared>> -> memref<10240x8xf32, #tpu.memory_space<vmem_shared>>
      tpu.enqueue_indirect_dma source(%arg7 : memref<128x8xf32, #tpu.memory_space<vmem>>) target(%dma_start3A_31 : memref<10240x8xf32, #tpu.memory_space<vmem_shared>>) offsets(%dma_start3A_28 : memref<128xi32, #tpu.memory_space<vmem>>) semaphore(%arg9 : memref<!tpu.dma_semaphore, #tpu.memory_space<semaphore_mem>>) {add = true}
    }
    %scan3A_8 = arith.constant 80 : i32
    %scan3A_9 = arith.constant 0 : i32
    %scan3A_10 = arith.constant 80 : i32
    %scan3A_11 = arith.addi %scan3A_9, %scan3A_10 : i32
    %scan3A_12 = arith.constant 1 : i32
    scf.for %scan3A_22 = %scan3A_9 to %scan3A_11 step %scan3A_12  : i32 {
      %mul3A_23 = arith.constant 1 : i32
      %mul3A_24 = arith.muli %scan3A_22, %mul3A_23 : i32
      %add3A_25 = arith.constant 0 : i32
      %add3A_26 = arith.addi %add3A_25, %mul3A_24 : i32
      %dma_wait3A = arith.constant 0 : i32
      %dma_wait3A_27 = tpu.memref_slice %arg6[%add3A_26, %dma_wait3A] : memref<80x128xi32, #tpu.memory_space<vmem>> -> memref<1x128xi32, #tpu.memory_space<vmem>>
      %dma_wait3A_28 = tpu.memref_squeeze %dma_wait3A_27 : memref<1x128xi32, #tpu.memory_space<vmem>> -> memref<128xi32, #tpu.memory_space<vmem>>
      %dma_wait3A_29 = arith.constant 0 : i32
      %dma_wait3A_30 = arith.constant 0 : i32
      %dma_wait3A_31 = tpu.memref_slice %arg8[%dma_wait3A_29, %dma_wait3A_30] : memref<10240x8xf32, #tpu.memory_space<vmem_shared>> -> memref<10240x8xf32, #tpu.memory_space<vmem_shared>>
      tpu.wait_indirect_dma semaphore(%arg9 : memref<!tpu.dma_semaphore, #tpu.memory_space<semaphore_mem>>) src(%arg7 : memref<128x8xf32, #tpu.memory_space<vmem>>) dst(%dma_wait3A_31 : memref<10240x8xf32, #tpu.memory_space<vmem_shared>>)
    }
    %scan3A_13 = arith.constant 80 : i32
    %barrier3A_14 = arith.constant 0 : index
    tpu.barrier barrier_id(%barrier3A_14)
    %mul3A_15 = arith.constant 640 : i32
    %mul3A_16 = arith.muli %arg1, %mul3A_15 : i32
    %mul3A_17 = arith.constant 10240 : i32
    %mul3A_18 = arith.muli %arg0, %mul3A_17 : i32
    %mul3A_19 = arith.constant 640 : i32
    %mul3A_20 = arith.muli %arg1, %mul3A_19 : i32
    %add3A_21 = arith.addi %mul3A_18, %mul3A_20 : i32
    "tpu.region"() ({
      %run_scoped3A_22 = tpu.sem_alloc : memref<!tpu.dma_semaphore, #tpu.memory_space<semaphore_mem>>
      %dma_start3A = arith.constant 0 : i32
      %dma_start3A_23 = tpu.memref_slice %arg5[%add3A_21, %dma_start3A] : memref<20480x8xf32, #tpu.memory_space<hbm>> -> memref<640x8xf32, #tpu.memory_space<hbm>>
      %dma_start3A_24 = arith.constant 0 : i32
      %dma_start3A_25 = tpu.memref_slice %arg8[%mul3A_16, %dma_start3A_24] : memref<10240x8xf32, #tpu.memory_space<vmem_shared>> -> memref<640x8xf32, #tpu.memory_space<vmem_shared>>
      tpu.enqueue_dma source(%dma_start3A_25 : memref<640x8xf32, #tpu.memory_space<vmem_shared>>) target(%dma_start3A_23 : memref<640x8xf32, #tpu.memory_space<hbm>>) target_semaphore(%run_scoped3A_22 : memref<!tpu.dma_semaphore, #tpu.memory_space<semaphore_mem>>)
      %dma_wait3A = arith.constant 0 : i32
      %dma_wait3A_26 = tpu.memref_slice %arg5[%add3A_21, %dma_wait3A] : memref<20480x8xf32, #tpu.memory_space<hbm>> -> memref<640x8xf32, #tpu.memory_space<hbm>>
      %dma_wait3A_27 = arith.constant 0 : i32
      %dma_wait3A_28 = tpu.memref_slice %arg8[%mul3A_16, %dma_wait3A_27] : memref<10240x8xf32, #tpu.memory_space<vmem_shared>> -> memref<640x8xf32, #tpu.memory_space<vmem_shared>>
      tpu.wait_dma2 semaphore(%run_scoped3A_22 : memref<!tpu.dma_semaphore, #tpu.memory_space<semaphore_mem>>) src(%dma_wait3A_28 : memref<640x8xf32, #tpu.memory_space<vmem_shared>>) dst(%dma_wait3A_26 : memref<640x8xf32, #tpu.memory_space<hbm>>)
      tpu.yield
    }) : () -> ()
    return
  }
}

#map = affine_map<(d0, d1) -> (0, 0)>
#map1 = affine_map<(d0, d1) -> (0, 0, 0)>
module attributes {stable_mosaic.version = 14 : i64} {
  func.func @_agg_kernel(%arg0: i32, %arg1: i32, %arg2: memref<10240x48xf32, #tpu.memory_space<hbm>>, %arg3: memref<10240x16xf32, #tpu.memory_space<hbm>>, %arg4: memref<2x2560x128xi32, #tpu.memory_space<hbm>>, %arg5: memref<640x48xf32, #tpu.memory_space<hbm>>, %arg6: memref<20480x48xf32, #tpu.memory_space<hbm>>, %arg7: memref<80x128xi32, #tpu.memory_space<vmem>>, %arg8: memref<80x128xi32, #tpu.memory_space<vmem>>, %arg9: memref<2x128x48xf32, #tpu.memory_space<vmem>>, %arg10: memref<320x48xf32, #tpu.memory_space<vmem>>, %arg11: memref<160x16xf32, #tpu.memory_space<vmem>>, %arg12: memref<160x16xf32, #tpu.memory_space<vmem>>, %arg13: memref<5120xf32, #tpu.memory_space<vmem>>, %arg14: memref<10240x48xf32, #tpu.memory_space<vmem_shared>>, %arg15: memref<10240x48xf32, #tpu.memory_space<vmem_shared>>, %arg16: memref<2x!tpu.dma_semaphore, #tpu.memory_space<semaphore_mem>>, %arg17: memref<2x!tpu.dma_semaphore, #tpu.memory_space<semaphore_mem>>) attributes {dimension_semantics = [#tpu.dimension_semantics<core_parallel>, #tpu.dimension_semantics<subcore_parallel>], iteration_bounds = array<i64: 2, 16>, scalar_prefetch = 0 : i64, scratch_operands = 11 : i64, tpu.core_type = #tpu.core_type<sc_vector_subcore>, window_params = [{transform_indices = #map}, {transform_indices = #map}, {transform_indices = #map1}, {transform_indices = #map}, {transform_indices = #map}]} {
    %mul3A = arith.constant 16 : i32
    %mul3A_0 = arith.muli %arg0, %mul3A : i32
    %add3A = arith.addi %mul3A_0, %arg1 : i32
    %mul3A_1 = arith.constant 80 : i32
    %mul3A_2 = arith.muli %add3A, %mul3A_1 : i32
    %run_scoped3A = arith.constant 0 : i32
    "tpu.region"() ({
      %run_scoped3A_223 = tpu.sem_alloc : memref<!tpu.dma_semaphore, #tpu.memory_space<semaphore_mem>>
      %dma_start3A_224 = arith.constant 0 : i32
      %dma_start3A_225 = tpu.memref_slice %arg4[%run_scoped3A, %mul3A_2, %dma_start3A_224] : memref<2x2560x128xi32, #tpu.memory_space<hbm>> -> memref<1x80x128xi32, #tpu.memory_space<hbm>>
      %dma_start3A_226 = tpu.memref_squeeze %dma_start3A_225 : memref<1x80x128xi32, #tpu.memory_space<hbm>> -> memref<80x128xi32, #tpu.memory_space<hbm>>
      %dma_start3A_227 = arith.constant 0 : i32
      %dma_start3A_228 = tpu.memref_slice %arg4[%run_scoped3A, %mul3A_2, %dma_start3A_227] : memref<2x2560x128xi32, #tpu.memory_space<hbm>> -> memref<1x80x128xi32, #tpu.memory_space<hbm>>
      %dma_start3A_229 = tpu.memref_squeeze %dma_start3A_228 : memref<1x80x128xi32, #tpu.memory_space<hbm>> -> memref<80x128xi32, #tpu.memory_space<hbm>>
      tpu.enqueue_dma source(%dma_start3A_229 : memref<80x128xi32, #tpu.memory_space<hbm>>) target(%arg7 : memref<80x128xi32, #tpu.memory_space<vmem>>) target_semaphore(%run_scoped3A_223 : memref<!tpu.dma_semaphore, #tpu.memory_space<semaphore_mem>>)
      %dma_wait3A_230 = arith.constant 0 : i32
      %dma_wait3A_231 = tpu.memref_slice %arg4[%run_scoped3A, %mul3A_2, %dma_wait3A_230] : memref<2x2560x128xi32, #tpu.memory_space<hbm>> -> memref<1x80x128xi32, #tpu.memory_space<hbm>>
      %dma_wait3A_232 = tpu.memref_squeeze %dma_wait3A_231 : memref<1x80x128xi32, #tpu.memory_space<hbm>> -> memref<80x128xi32, #tpu.memory_space<hbm>>
      %dma_wait3A_233 = arith.constant 0 : i32
      %dma_wait3A_234 = tpu.memref_slice %arg4[%run_scoped3A, %mul3A_2, %dma_wait3A_233] : memref<2x2560x128xi32, #tpu.memory_space<hbm>> -> memref<1x80x128xi32, #tpu.memory_space<hbm>>
      %dma_wait3A_235 = tpu.memref_squeeze %dma_wait3A_234 : memref<1x80x128xi32, #tpu.memory_space<hbm>> -> memref<80x128xi32, #tpu.memory_space<hbm>>
      tpu.wait_dma2 semaphore(%run_scoped3A_223 : memref<!tpu.dma_semaphore, #tpu.memory_space<semaphore_mem>>) src(%dma_wait3A_235 : memref<80x128xi32, #tpu.memory_space<hbm>>) dst(%arg7 : memref<80x128xi32, #tpu.memory_space<vmem>>)
      tpu.yield
    }) : () -> ()
    %mul3A_3 = arith.constant 80 : i32
    %mul3A_4 = arith.muli %add3A, %mul3A_3 : i32
    %run_scoped3A_5 = arith.constant 1 : i32
    "tpu.region"() ({
      %run_scoped3A_223 = tpu.sem_alloc : memref<!tpu.dma_semaphore, #tpu.memory_space<semaphore_mem>>
      %dma_start3A_224 = arith.constant 0 : i32
      %dma_start3A_225 = tpu.memref_slice %arg4[%run_scoped3A_5, %mul3A_4, %dma_start3A_224] : memref<2x2560x128xi32, #tpu.memory_space<hbm>> -> memref<1x80x128xi32, #tpu.memory_space<hbm>>
      %dma_start3A_226 = tpu.memref_squeeze %dma_start3A_225 : memref<1x80x128xi32, #tpu.memory_space<hbm>> -> memref<80x128xi32, #tpu.memory_space<hbm>>
      %dma_start3A_227 = arith.constant 0 : i32
      %dma_start3A_228 = tpu.memref_slice %arg4[%run_scoped3A_5, %mul3A_4, %dma_start3A_227] : memref<2x2560x128xi32, #tpu.memory_space<hbm>> -> memref<1x80x128xi32, #tpu.memory_space<hbm>>
      %dma_start3A_229 = tpu.memref_squeeze %dma_start3A_228 : memref<1x80x128xi32, #tpu.memory_space<hbm>> -> memref<80x128xi32, #tpu.memory_space<hbm>>
      tpu.enqueue_dma source(%dma_start3A_229 : memref<80x128xi32, #tpu.memory_space<hbm>>) target(%arg8 : memref<80x128xi32, #tpu.memory_space<vmem>>) target_semaphore(%run_scoped3A_223 : memref<!tpu.dma_semaphore, #tpu.memory_space<semaphore_mem>>)
      %dma_wait3A_230 = arith.constant 0 : i32
      %dma_wait3A_231 = tpu.memref_slice %arg4[%run_scoped3A_5, %mul3A_4, %dma_wait3A_230] : memref<2x2560x128xi32, #tpu.memory_space<hbm>> -> memref<1x80x128xi32, #tpu.memory_space<hbm>>
      %dma_wait3A_232 = tpu.memref_squeeze %dma_wait3A_231 : memref<1x80x128xi32, #tpu.memory_space<hbm>> -> memref<80x128xi32, #tpu.memory_space<hbm>>
      %dma_wait3A_233 = arith.constant 0 : i32
      %dma_wait3A_234 = tpu.memref_slice %arg4[%run_scoped3A_5, %mul3A_4, %dma_wait3A_233] : memref<2x2560x128xi32, #tpu.memory_space<hbm>> -> memref<1x80x128xi32, #tpu.memory_space<hbm>>
      %dma_wait3A_235 = tpu.memref_squeeze %dma_wait3A_234 : memref<1x80x128xi32, #tpu.memory_space<hbm>> -> memref<80x128xi32, #tpu.memory_space<hbm>>
      tpu.wait_dma2 semaphore(%run_scoped3A_223 : memref<!tpu.dma_semaphore, #tpu.memory_space<semaphore_mem>>) src(%dma_wait3A_235 : memref<80x128xi32, #tpu.memory_space<hbm>>) dst(%arg8 : memref<80x128xi32, #tpu.memory_space<vmem>>)
      tpu.yield
    }) : () -> ()
    %mul3A_6 = arith.constant 640 : i32
    %mul3A_7 = arith.muli %arg1, %mul3A_6 : i32
    %add3A_8 = arith.constant 0 : i32
    %add3A_9 = arith.addi %mul3A_7, %add3A_8 : i32
    %mul3A_10 = arith.constant 8 : i32
    %mul3A_11 = arith.muli %add3A_9, %mul3A_10 : i32
    %jit3A = arith.constant 16 : i32
    %div3A = arith.divsi %mul3A_11, %jit3A : i32
    %sign3A = arith.constant 0 : i32
    %sign3A_12 = arith.cmpi sgt, %mul3A_11, %sign3A : i32
    %sign3A_13 = arith.extui %sign3A_12 : i1 to i32
    %sign3A_14 = arith.constant 0 : i32
    %sign3A_15 = arith.cmpi slt, %mul3A_11, %sign3A_14 : i32
    %sign3A_16 = arith.extui %sign3A_15 : i1 to i32
    %sign3A_17 = arith.subi %sign3A_13, %sign3A_16 : i32
    %sign3A_18 = arith.constant 0 : i32
    %sign3A_19 = arith.cmpi sgt, %jit3A, %sign3A_18 : i32
    %sign3A_20 = arith.extui %sign3A_19 : i1 to i32
    %sign3A_21 = arith.constant 0 : i32
    %sign3A_22 = arith.cmpi slt, %jit3A, %sign3A_21 : i32
    %sign3A_23 = arith.extui %sign3A_22 : i1 to i32
    %sign3A_24 = arith.subi %sign3A_20, %sign3A_23 : i32
    %ne3A = arith.cmpi ne, %sign3A_17, %sign3A_24 : i32
    %rem3A = arith.remsi %mul3A_11, %jit3A : i32
    %ne3A_25 = arith.constant 0 : i32
    %ne3A_26 = arith.cmpi ne, %rem3A, %ne3A_25 : i32
    %and3A = arith.andi %ne3A, %ne3A_26 : i1
    %sub3A = arith.constant 1 : i32
    %sub3A_27 = arith.subi %div3A, %sub3A : i32
    %select_n3A = arith.select %and3A, %sub3A_27, %div3A : i32
    "tpu.region"() ({
      %run_scoped3A_223 = tpu.sem_alloc : memref<!tpu.dma_semaphore, #tpu.memory_space<semaphore_mem>>
      %dma_start3A_224 = arith.constant 0 : i32
      %dma_start3A_225 = tpu.memref_slice %arg3[%select_n3A, %dma_start3A_224] : memref<10240x16xf32, #tpu.memory_space<hbm>> -> memref<160x16xf32, #tpu.memory_space<hbm>>
      %dma_start3A_226 = arith.constant 0 : i32
      %dma_start3A_227 = tpu.memref_slice %arg3[%select_n3A, %dma_start3A_226] : memref<10240x16xf32, #tpu.memory_space<hbm>> -> memref<160x16xf32, #tpu.memory_space<hbm>>
      tpu.enqueue_dma source(%dma_start3A_227 : memref<160x16xf32, #tpu.memory_space<hbm>>) target(%arg11 : memref<160x16xf32, #tpu.memory_space<vmem>>) target_semaphore(%run_scoped3A_223 : memref<!tpu.dma_semaphore, #tpu.memory_space<semaphore_mem>>)
      %dma_wait3A_228 = arith.constant 0 : i32
      %dma_wait3A_229 = tpu.memref_slice %arg3[%select_n3A, %dma_wait3A_228] : memref<10240x16xf32, #tpu.memory_space<hbm>> -> memref<160x16xf32, #tpu.memory_space<hbm>>
      %dma_wait3A_230 = arith.constant 0 : i32
      %dma_wait3A_231 = tpu.memref_slice %arg3[%select_n3A, %dma_wait3A_230] : memref<10240x16xf32, #tpu.memory_space<hbm>> -> memref<160x16xf32, #tpu.memory_space<hbm>>
      tpu.wait_dma2 semaphore(%run_scoped3A_223 : memref<!tpu.dma_semaphore, #tpu.memory_space<semaphore_mem>>) src(%dma_wait3A_231 : memref<160x16xf32, #tpu.memory_space<hbm>>) dst(%arg11 : memref<160x16xf32, #tpu.memory_space<vmem>>)
      tpu.yield
    }) : () -> ()
    %add3A_28 = arith.constant 10240 : i32
    %add3A_29 = arith.addi %add3A_28, %add3A_9 : i32
    %mul3A_30 = arith.constant 8 : i32
    %mul3A_31 = arith.muli %add3A_29, %mul3A_30 : i32
    %jit3A_32 = arith.constant 16 : i32
    %div3A_33 = arith.divsi %mul3A_31, %jit3A_32 : i32
    %sign3A_34 = arith.constant 0 : i32
    %sign3A_35 = arith.cmpi sgt, %mul3A_31, %sign3A_34 : i32
    %sign3A_36 = arith.extui %sign3A_35 : i1 to i32
    %sign3A_37 = arith.constant 0 : i32
    %sign3A_38 = arith.cmpi slt, %mul3A_31, %sign3A_37 : i32
    %sign3A_39 = arith.extui %sign3A_38 : i1 to i32
    %sign3A_40 = arith.subi %sign3A_36, %sign3A_39 : i32
    %sign3A_41 = arith.constant 0 : i32
    %sign3A_42 = arith.cmpi sgt, %jit3A_32, %sign3A_41 : i32
    %sign3A_43 = arith.extui %sign3A_42 : i1 to i32
    %sign3A_44 = arith.constant 0 : i32
    %sign3A_45 = arith.cmpi slt, %jit3A_32, %sign3A_44 : i32
    %sign3A_46 = arith.extui %sign3A_45 : i1 to i32
    %sign3A_47 = arith.subi %sign3A_43, %sign3A_46 : i32
    %ne3A_48 = arith.cmpi ne, %sign3A_40, %sign3A_47 : i32
    %rem3A_49 = arith.remsi %mul3A_31, %jit3A_32 : i32
    %ne3A_50 = arith.constant 0 : i32
    %ne3A_51 = arith.cmpi ne, %rem3A_49, %ne3A_50 : i32
    %and3A_52 = arith.andi %ne3A_48, %ne3A_51 : i1
    %sub3A_53 = arith.constant 1 : i32
    %sub3A_54 = arith.subi %div3A_33, %sub3A_53 : i32
    %select_n3A_55 = arith.select %and3A_52, %sub3A_54, %div3A_33 : i32
    "tpu.region"() ({
      %run_scoped3A_223 = tpu.sem_alloc : memref<!tpu.dma_semaphore, #tpu.memory_space<semaphore_mem>>
      %dma_start3A_224 = arith.constant 0 : i32
      %dma_start3A_225 = tpu.memref_slice %arg3[%select_n3A_55, %dma_start3A_224] : memref<10240x16xf32, #tpu.memory_space<hbm>> -> memref<160x16xf32, #tpu.memory_space<hbm>>
      %dma_start3A_226 = arith.constant 0 : i32
      %dma_start3A_227 = tpu.memref_slice %arg3[%select_n3A_55, %dma_start3A_226] : memref<10240x16xf32, #tpu.memory_space<hbm>> -> memref<160x16xf32, #tpu.memory_space<hbm>>
      tpu.enqueue_dma source(%dma_start3A_227 : memref<160x16xf32, #tpu.memory_space<hbm>>) target(%arg12 : memref<160x16xf32, #tpu.memory_space<vmem>>) target_semaphore(%run_scoped3A_223 : memref<!tpu.dma_semaphore, #tpu.memory_space<semaphore_mem>>)
      %dma_wait3A_228 = arith.constant 0 : i32
      %dma_wait3A_229 = tpu.memref_slice %arg3[%select_n3A_55, %dma_wait3A_228] : memref<10240x16xf32, #tpu.memory_space<hbm>> -> memref<160x16xf32, #tpu.memory_space<hbm>>
      %dma_wait3A_230 = arith.constant 0 : i32
      %dma_wait3A_231 = tpu.memref_slice %arg3[%select_n3A_55, %dma_wait3A_230] : memref<10240x16xf32, #tpu.memory_space<hbm>> -> memref<160x16xf32, #tpu.memory_space<hbm>>
      tpu.wait_dma2 semaphore(%run_scoped3A_223 : memref<!tpu.dma_semaphore, #tpu.memory_space<semaphore_mem>>) src(%dma_wait3A_231 : memref<160x16xf32, #tpu.memory_space<hbm>>) dst(%arg12 : memref<160x16xf32, #tpu.memory_space<vmem>>)
      tpu.yield
    }) : () -> ()
    "tpu.region"() ({
      %run_scoped3A_223 = tpu.sem_alloc : memref<!tpu.dma_semaphore, #tpu.memory_space<semaphore_mem>>
      %dma_start3A_224 = arith.constant 0 : i32
      %dma_start3A_225 = tpu.memref_slice %arg2[%add3A_9, %dma_start3A_224] : memref<10240x48xf32, #tpu.memory_space<hbm>> -> memref<320x48xf32, #tpu.memory_space<hbm>>
      %dma_start3A_226 = arith.constant 0 : i32
      %dma_start3A_227 = tpu.memref_slice %arg2[%add3A_9, %dma_start3A_226] : memref<10240x48xf32, #tpu.memory_space<hbm>> -> memref<320x48xf32, #tpu.memory_space<hbm>>
      tpu.enqueue_dma source(%dma_start3A_227 : memref<320x48xf32, #tpu.memory_space<hbm>>) target(%arg10 : memref<320x48xf32, #tpu.memory_space<vmem>>) target_semaphore(%run_scoped3A_223 : memref<!tpu.dma_semaphore, #tpu.memory_space<semaphore_mem>>)
      %dma_wait3A_228 = arith.constant 0 : i32
      %dma_wait3A_229 = tpu.memref_slice %arg2[%add3A_9, %dma_wait3A_228] : memref<10240x48xf32, #tpu.memory_space<hbm>> -> memref<320x48xf32, #tpu.memory_space<hbm>>
      %dma_wait3A_230 = arith.constant 0 : i32
      %dma_wait3A_231 = tpu.memref_slice %arg2[%add3A_9, %dma_wait3A_230] : memref<10240x48xf32, #tpu.memory_space<hbm>> -> memref<320x48xf32, #tpu.memory_space<hbm>>
      tpu.wait_dma2 semaphore(%run_scoped3A_223 : memref<!tpu.dma_semaphore, #tpu.memory_space<semaphore_mem>>) src(%dma_wait3A_231 : memref<320x48xf32, #tpu.memory_space<hbm>>) dst(%arg10 : memref<320x48xf32, #tpu.memory_space<vmem>>)
      tpu.yield
    }) : () -> ()
    %scan3A = arith.constant 0 : i32
    %scan3A_56 = arith.constant 160 : i32
    %scan3A_57 = arith.addi %scan3A, %scan3A_56 : i32
    %scan3A_58 = arith.constant 1 : i32
    scf.for %scan3A_223 = %scan3A to %scan3A_57 step %scan3A_58  : i32 {
      %mul3A_224 = arith.constant 1 : i32
      %mul3A_225 = arith.muli %scan3A_223, %mul3A_224 : i32
      %add3A_226 = arith.constant 0 : i32
      %add3A_227 = arith.addi %add3A_226, %mul3A_225 : i32
      %get3A = arith.index_cast %add3A_227 : i32 to index
      %get3A_228 = arith.constant 0 : index
      %get3A_229 = tpu.vector_load %arg11[%get3A, %get3A_228] {strides = array<i32>} : memref<160x16xf32, #tpu.memory_space<vmem>>, vector<16xf32>,
      %get3A_230 = arith.index_cast %add3A_227 : i32 to index
      %get3A_231 = arith.constant 0 : index
      %get3A_232 = tpu.vector_load %arg12[%get3A_230, %get3A_231] {strides = array<i32>} : memref<160x16xf32, #tpu.memory_space<vmem>>, vector<16xf32>,
      %add3A_233 = arith.addf %get3A_229, %get3A_232 : vector<16xf32>
      %add3A_234 = arith.constant 1.000000e+00 : f32
      %add3A_235 = vector.broadcast %add3A_234 : f32 to vector<16xf32>
      %add3A_236 = arith.addf %add3A_233, %add3A_235 : vector<16xf32>
      %bitcast3A = vector.bitcast %add3A_236 : vector<16xf32> to vector<16xi32>
      %shift_right_arithmetic3A = arith.constant 1 : i32
      %shift_right_arithmetic3A_237 = vector.broadcast %shift_right_arithmetic3A : i32 to vector<16xi32>
      %shift_right_arithmetic3A_238 = arith.shrsi %bitcast3A, %shift_right_arithmetic3A_237 : vector<16xi32>
      %sub3A_239 = arith.constant 1597463007 : i32
      %sub3A_240 = vector.broadcast %sub3A_239 : i32 to vector<16xi32>
      %sub3A_241 = arith.subi %sub3A_240, %shift_right_arithmetic3A_238 : vector<16xi32>
      %bitcast3A_242 = vector.bitcast %sub3A_241 : vector<16xi32> to vector<16xf32>
      %mul3A_243 = arith.constant 5.000000e-01 : f32
      %mul3A_244 = vector.broadcast %mul3A_243 : f32 to vector<16xf32>
      %mul3A_245 = arith.mulf %mul3A_244, %add3A_236 : vector<16xf32>
      %mul3A_246 = arith.mulf %mul3A_245, %bitcast3A_242 : vector<16xf32>
      %mul3A_247 = arith.mulf %mul3A_246, %bitcast3A_242 : vector<16xf32>
      %sub3A_248 = arith.constant 1.500000e+00 : f32
      %sub3A_249 = vector.broadcast %sub3A_248 : f32 to vector<16xf32>
      %sub3A_250 = arith.subf %sub3A_249, %mul3A_247 : vector<16xf32>
      %mul3A_251 = arith.mulf %bitcast3A_242, %sub3A_250 : vector<16xf32>
      %mul3A_252 = arith.constant 5.000000e-01 : f32
      %mul3A_253 = vector.broadcast %mul3A_252 : f32 to vector<16xf32>
      %mul3A_254 = arith.mulf %mul3A_253, %add3A_236 : vector<16xf32>
      %mul3A_255 = arith.mulf %mul3A_254, %mul3A_251 : vector<16xf32>
      %mul3A_256 = arith.mulf %mul3A_255, %mul3A_251 : vector<16xf32>
      %sub3A_257 = arith.constant 1.500000e+00 : f32
      %sub3A_258 = vector.broadcast %sub3A_257 : f32 to vector<16xf32>
      %sub3A_259 = arith.subf %sub3A_258, %mul3A_256 : vector<16xf32>
      %mul3A_260 = arith.mulf %mul3A_251, %sub3A_259 : vector<16xf32>
      %mul3A_261 = arith.constant 5.000000e-01 : f32
      %mul3A_262 = vector.broadcast %mul3A_261 : f32 to vector<16xf32>
      %mul3A_263 = arith.mulf %mul3A_262, %add3A_236 : vector<16xf32>
      %mul3A_264 = arith.mulf %mul3A_263, %mul3A_260 : vector<16xf32>
      %mul3A_265 = arith.mulf %mul3A_264, %mul3A_260 : vector<16xf32>
      %sub3A_266 = arith.constant 1.500000e+00 : f32
      %sub3A_267 = vector.broadcast %sub3A_266 : f32 to vector<16xf32>
      %sub3A_268 = arith.subf %sub3A_267, %mul3A_265 : vector<16xf32>
      %mul3A_269 = arith.mulf %mul3A_260, %sub3A_268 : vector<16xf32>
      %mul3A_270 = arith.constant 16 : i32
      %mul3A_271 = arith.muli %add3A_227, %mul3A_270 : i32
      %add3A_272 = arith.constant 0 : i32
      %add3A_273 = arith.addi %add3A_272, %mul3A_271 : i32
      %swap3A = arith.index_cast %add3A_273 : i32 to index
      %swap3A_274 = tpu.vector_load %arg13[%swap3A] {strides = array<i32>} : memref<5120xf32, #tpu.memory_space<vmem>>, vector<16xf32>,
      tpu.vector_store %arg13[%swap3A], %mul3A_269 {strides = array<i32>} : memref<5120xf32, #tpu.memory_space<vmem>>, vector<16xf32>,
    }
    %scan3A_59 = arith.constant 160 : i32
    %scan3A_60 = arith.constant 0 : i32
    %scan3A_61 = arith.constant 320 : i32
    %scan3A_62 = arith.addi %scan3A_60, %scan3A_61 : i32
    %scan3A_63 = arith.constant 1 : i32
    scf.for %scan3A_223 = %scan3A_60 to %scan3A_62 step %scan3A_63  : i32 {
      %mul3A_224 = arith.constant 1 : i32
      %mul3A_225 = arith.muli %scan3A_223, %mul3A_224 : i32
      %add3A_226 = arith.constant 0 : i32
      %add3A_227 = arith.addi %add3A_226, %mul3A_225 : i32
      %iota3A = tpu.iota {dimensions = array<i32: 0>} : vector<16xi32>
      %mul3A_228 = arith.constant 0 : i32
      %mul3A_229 = vector.broadcast %mul3A_228 : i32 to vector<16xi32>
      %mul3A_230 = arith.muli %iota3A, %mul3A_229 : vector<16xi32>
      %add3A_231 = arith.constant 0 : i32
      %add3A_232 = arith.addi %add3A_231, %add3A_227 : i32
      %mul3A_233 = arith.constant 8 : i32
      %mul3A_234 = arith.muli %add3A_232, %mul3A_233 : i32
      %add3A_235 = vector.broadcast %mul3A_234 : i32 to vector<16xi32>
      %add3A_236 = arith.addi %mul3A_230, %add3A_235 : vector<16xi32>
      %gather3A = tpu.vector_load_idx %arg13[%add3A_236] : memref<5120xf32, #tpu.memory_space<vmem>>[vector<16xi32>], vector<16xf32>,
      %get3A = arith.index_cast %add3A_227 : i32 to index
      %get3A_237 = arith.constant 0 : index
      %get3A_238 = tpu.vector_load %arg10[%get3A, %get3A_237] {strides = array<i32>} : memref<320x48xf32, #tpu.memory_space<vmem>>, vector<16xf32>,
      %mul3A_239 = arith.mulf %get3A_238, %gather3A : vector<16xf32>
      %swap3A = arith.index_cast %add3A_227 : i32 to index
      %swap3A_240 = arith.constant 0 : index
      %swap3A_241 = tpu.vector_load %arg10[%swap3A, %swap3A_240] {strides = array<i32>} : memref<320x48xf32, #tpu.memory_space<vmem>>, vector<16xf32>,
      tpu.vector_store %arg10[%swap3A, %swap3A_240], %mul3A_239 {strides = array<i32>} : memref<320x48xf32, #tpu.memory_space<vmem>>, vector<16xf32>,
      %get3A_242 = arith.index_cast %add3A_227 : i32 to index
      %get3A_243 = arith.constant 16 : index
      %get3A_244 = tpu.vector_load %arg10[%get3A_242, %get3A_243] {strides = array<i32>} : memref<320x48xf32, #tpu.memory_space<vmem>>, vector<16xf32>,
      %mul3A_245 = arith.mulf %get3A_244, %gather3A : vector<16xf32>
      %swap3A_246 = arith.index_cast %add3A_227 : i32 to index
      %swap3A_247 = arith.constant 16 : index
      %swap3A_248 = tpu.vector_load %arg10[%swap3A_246, %swap3A_247] {strides = array<i32>} : memref<320x48xf32, #tpu.memory_space<vmem>>, vector<16xf32>,
      tpu.vector_store %arg10[%swap3A_246, %swap3A_247], %mul3A_245 {strides = array<i32>} : memref<320x48xf32, #tpu.memory_space<vmem>>, vector<16xf32>,
      %get3A_249 = arith.index_cast %add3A_227 : i32 to index
      %get3A_250 = arith.constant 32 : index
      %get3A_251 = tpu.vector_load %arg10[%get3A_249, %get3A_250] {strides = array<i32>} : memref<320x48xf32, #tpu.memory_space<vmem>>, vector<16xf32>,
      %mul3A_252 = arith.mulf %get3A_251, %gather3A : vector<16xf32>
      %swap3A_253 = arith.index_cast %add3A_227 : i32 to index
      %swap3A_254 = arith.constant 32 : index
      %swap3A_255 = tpu.vector_load %arg10[%swap3A_253, %swap3A_254] {strides = array<i32>} : memref<320x48xf32, #tpu.memory_space<vmem>>, vector<16xf32>,
      tpu.vector_store %arg10[%swap3A_253, %swap3A_254], %mul3A_252 {strides = array<i32>} : memref<320x48xf32, #tpu.memory_space<vmem>>, vector<16xf32>,
    }
    %scan3A_64 = arith.constant 320 : i32
    "tpu.region"() ({
      %run_scoped3A_223 = tpu.sem_alloc : memref<!tpu.dma_semaphore, #tpu.memory_space<semaphore_mem>>
      %dma_start3A_224 = arith.constant 0 : i32
      %dma_start3A_225 = tpu.memref_slice %arg14[%add3A_9, %dma_start3A_224] : memref<10240x48xf32, #tpu.memory_space<vmem_shared>> -> memref<320x48xf32, #tpu.memory_space<vmem_shared>>
      %dma_start3A_226 = arith.constant 0 : i32
      %dma_start3A_227 = tpu.memref_slice %arg14[%add3A_9, %dma_start3A_226] : memref<10240x48xf32, #tpu.memory_space<vmem_shared>> -> memref<320x48xf32, #tpu.memory_space<vmem_shared>>
      tpu.enqueue_dma source(%arg10 : memref<320x48xf32, #tpu.memory_space<vmem>>) target(%dma_start3A_227 : memref<320x48xf32, #tpu.memory_space<vmem_shared>>) target_semaphore(%run_scoped3A_223 : memref<!tpu.dma_semaphore, #tpu.memory_space<semaphore_mem>>)
      %dma_wait3A_228 = arith.constant 0 : i32
      %dma_wait3A_229 = tpu.memref_slice %arg14[%add3A_9, %dma_wait3A_228] : memref<10240x48xf32, #tpu.memory_space<vmem_shared>> -> memref<320x48xf32, #tpu.memory_space<vmem_shared>>
      %dma_wait3A_230 = arith.constant 0 : i32
      %dma_wait3A_231 = tpu.memref_slice %arg14[%add3A_9, %dma_wait3A_230] : memref<10240x48xf32, #tpu.memory_space<vmem_shared>> -> memref<320x48xf32, #tpu.memory_space<vmem_shared>>
      tpu.wait_dma2 semaphore(%run_scoped3A_223 : memref<!tpu.dma_semaphore, #tpu.memory_space<semaphore_mem>>) src(%arg10 : memref<320x48xf32, #tpu.memory_space<vmem>>) dst(%dma_wait3A_231 : memref<320x48xf32, #tpu.memory_space<vmem_shared>>)
      tpu.yield
    }) : () -> ()
    %eq3A = arith.constant 0 : i32
    %eq3A_65 = arith.cmpi eq, %arg0, %eq3A : i32
    %convert_element_type3A = arith.extui %eq3A_65 : i1 to i32
    %cond3A = arith.constant 0 : i32
    %cond3A_66 = arith.cmpi ne, %convert_element_type3A, %cond3A : i32
    scf.if %cond3A_66 {
      "tpu.region"() ({
        %run_scoped3A_223 = tpu.sem_alloc : memref<!tpu.dma_semaphore, #tpu.memory_space<semaphore_mem>>
        %dma_start3A_224 = arith.constant 0 : i32
        %dma_start3A_225 = tpu.memref_slice %arg15[%add3A_9, %dma_start3A_224] : memref<10240x48xf32, #tpu.memory_space<vmem_shared>> -> memref<320x48xf32, #tpu.memory_space<vmem_shared>>
        %dma_start3A_226 = arith.constant 0 : i32
        %dma_start3A_227 = tpu.memref_slice %arg15[%add3A_9, %dma_start3A_226] : memref<10240x48xf32, #tpu.memory_space<vmem_shared>> -> memref<320x48xf32, #tpu.memory_space<vmem_shared>>
        tpu.enqueue_dma source(%arg10 : memref<320x48xf32, #tpu.memory_space<vmem>>) target(%dma_start3A_227 : memref<320x48xf32, #tpu.memory_space<vmem_shared>>) target_semaphore(%run_scoped3A_223 : memref<!tpu.dma_semaphore, #tpu.memory_space<semaphore_mem>>)
        %dma_wait3A_228 = arith.constant 0 : i32
        %dma_wait3A_229 = tpu.memref_slice %arg15[%add3A_9, %dma_wait3A_228] : memref<10240x48xf32, #tpu.memory_space<vmem_shared>> -> memref<320x48xf32, #tpu.memory_space<vmem_shared>>
        %dma_wait3A_230 = arith.constant 0 : i32
        %dma_wait3A_231 = tpu.memref_slice %arg15[%add3A_9, %dma_wait3A_230] : memref<10240x48xf32, #tpu.memory_space<vmem_shared>> -> memref<320x48xf32, #tpu.memory_space<vmem_shared>>
        tpu.wait_dma2 semaphore(%run_scoped3A_223 : memref<!tpu.dma_semaphore, #tpu.memory_space<semaphore_mem>>) src(%arg10 : memref<320x48xf32, #tpu.memory_space<vmem>>) dst(%dma_wait3A_231 : memref<320x48xf32, #tpu.memory_space<vmem_shared>>)
        tpu.yield
      }) : () -> ()
    } else {
    }
    %ne3A_67 = arith.constant 0 : i32
    %ne3A_68 = arith.cmpi ne, %arg0, %ne3A_67 : i32
    %convert_element_type3A_69 = arith.extui %ne3A_68 : i1 to i32
    %cond3A_70 = arith.constant 0 : i32
    %cond3A_71 = arith.cmpi ne, %convert_element_type3A_69, %cond3A_70 : i32
    scf.if %cond3A_71 {
      "tpu.region"() ({
        %run_scoped3A_223 = tpu.sem_alloc : memref<!tpu.dma_semaphore, #tpu.memory_space<semaphore_mem>>
        %dma_start3A_224 = arith.constant 0 : i32
        %dma_start3A_225 = tpu.memref_slice %arg15[%add3A_9, %dma_start3A_224] : memref<10240x48xf32, #tpu.memory_space<vmem_shared>> -> memref<320x48xf32, #tpu.memory_space<vmem_shared>>
        %dma_start3A_226 = arith.constant 0 : i32
        %dma_start3A_227 = arith.constant 0 : i32
        %dma_start3A_228 = tpu.memref_slice %arg5[%dma_start3A_226, %dma_start3A_227] : memref<640x48xf32, #tpu.memory_space<hbm>> -> memref<320x48xf32, #tpu.memory_space<hbm>>
        tpu.enqueue_dma source(%dma_start3A_228 : memref<320x48xf32, #tpu.memory_space<hbm>>) target(%dma_start3A_225 : memref<320x48xf32, #tpu.memory_space<vmem_shared>>) target_semaphore(%run_scoped3A_223 : memref<!tpu.dma_semaphore, #tpu.memory_space<semaphore_mem>>)
        %dma_wait3A_229 = arith.constant 0 : i32
        %dma_wait3A_230 = tpu.memref_slice %arg15[%add3A_9, %dma_wait3A_229] : memref<10240x48xf32, #tpu.memory_space<vmem_shared>> -> memref<320x48xf32, #tpu.memory_space<vmem_shared>>
        %dma_wait3A_231 = arith.constant 0 : i32
        %dma_wait3A_232 = arith.constant 0 : i32
        %dma_wait3A_233 = tpu.memref_slice %arg5[%dma_wait3A_231, %dma_wait3A_232] : memref<640x48xf32, #tpu.memory_space<hbm>> -> memref<320x48xf32, #tpu.memory_space<hbm>>
        tpu.wait_dma2 semaphore(%run_scoped3A_223 : memref<!tpu.dma_semaphore, #tpu.memory_space<semaphore_mem>>) src(%dma_wait3A_233 : memref<320x48xf32, #tpu.memory_space<hbm>>) dst(%dma_wait3A_230 : memref<320x48xf32, #tpu.memory_space<vmem_shared>>)
        tpu.yield
      }) : () -> ()
    } else {
    }
    %mul3A_72 = arith.constant 640 : i32
    %mul3A_73 = arith.muli %arg1, %mul3A_72 : i32
    %add3A_74 = arith.constant 320 : i32
    %add3A_75 = arith.addi %mul3A_73, %add3A_74 : i32
    %mul3A_76 = arith.constant 8 : i32
    %mul3A_77 = arith.muli %add3A_75, %mul3A_76 : i32
    %jit3A_78 = arith.constant 16 : i32
    %div3A_79 = arith.divsi %mul3A_77, %jit3A_78 : i32
    %sign3A_80 = arith.constant 0 : i32
    %sign3A_81 = arith.cmpi sgt, %mul3A_77, %sign3A_80 : i32
    %sign3A_82 = arith.extui %sign3A_81 : i1 to i32
    %sign3A_83 = arith.constant 0 : i32
    %sign3A_84 = arith.cmpi slt, %mul3A_77, %sign3A_83 : i32
    %sign3A_85 = arith.extui %sign3A_84 : i1 to i32
    %sign3A_86 = arith.subi %sign3A_82, %sign3A_85 : i32
    %sign3A_87 = arith.constant 0 : i32
    %sign3A_88 = arith.cmpi sgt, %jit3A_78, %sign3A_87 : i32
    %sign3A_89 = arith.extui %sign3A_88 : i1 to i32
    %sign3A_90 = arith.constant 0 : i32
    %sign3A_91 = arith.cmpi slt, %jit3A_78, %sign3A_90 : i32
    %sign3A_92 = arith.extui %sign3A_91 : i1 to i32
    %sign3A_93 = arith.subi %sign3A_89, %sign3A_92 : i32
    %ne3A_94 = arith.cmpi ne, %sign3A_86, %sign3A_93 : i32
    %rem3A_95 = arith.remsi %mul3A_77, %jit3A_78 : i32
    %ne3A_96 = arith.constant 0 : i32
    %ne3A_97 = arith.cmpi ne, %rem3A_95, %ne3A_96 : i32
    %and3A_98 = arith.andi %ne3A_94, %ne3A_97 : i1
    %sub3A_99 = arith.constant 1 : i32
    %sub3A_100 = arith.subi %div3A_79, %sub3A_99 : i32
    %select_n3A_101 = arith.select %and3A_98, %sub3A_100, %div3A_79 : i32
    "tpu.region"() ({
      %run_scoped3A_223 = tpu.sem_alloc : memref<!tpu.dma_semaphore, #tpu.memory_space<semaphore_mem>>
      %dma_start3A_224 = arith.constant 0 : i32
      %dma_start3A_225 = tpu.memref_slice %arg3[%select_n3A_101, %dma_start3A_224] : memref<10240x16xf32, #tpu.memory_space<hbm>> -> memref<160x16xf32, #tpu.memory_space<hbm>>
      %dma_start3A_226 = arith.constant 0 : i32
      %dma_start3A_227 = tpu.memref_slice %arg3[%select_n3A_101, %dma_start3A_226] : memref<10240x16xf32, #tpu.memory_space<hbm>> -> memref<160x16xf32, #tpu.memory_space<hbm>>
      tpu.enqueue_dma source(%dma_start3A_227 : memref<160x16xf32, #tpu.memory_space<hbm>>) target(%arg11 : memref<160x16xf32, #tpu.memory_space<vmem>>) target_semaphore(%run_scoped3A_223 : memref<!tpu.dma_semaphore, #tpu.memory_space<semaphore_mem>>)
      %dma_wait3A_228 = arith.constant 0 : i32
      %dma_wait3A_229 = tpu.memref_slice %arg3[%select_n3A_101, %dma_wait3A_228] : memref<10240x16xf32, #tpu.memory_space<hbm>> -> memref<160x16xf32, #tpu.memory_space<hbm>>
      %dma_wait3A_230 = arith.constant 0 : i32
      %dma_wait3A_231 = tpu.memref_slice %arg3[%select_n3A_101, %dma_wait3A_230] : memref<10240x16xf32, #tpu.memory_space<hbm>> -> memref<160x16xf32, #tpu.memory_space<hbm>>
      tpu.wait_dma2 semaphore(%run_scoped3A_223 : memref<!tpu.dma_semaphore, #tpu.memory_space<semaphore_mem>>) src(%dma_wait3A_231 : memref<160x16xf32, #tpu.memory_space<hbm>>) dst(%arg11 : memref<160x16xf32, #tpu.memory_space<vmem>>)
      tpu.yield
    }) : () -> ()
    %add3A_102 = arith.constant 10240 : i32
    %add3A_103 = arith.addi %add3A_102, %add3A_75 : i32
    %mul3A_104 = arith.constant 8 : i32
    %mul3A_105 = arith.muli %add3A_103, %mul3A_104 : i32
    %jit3A_106 = arith.constant 16 : i32
    %div3A_107 = arith.divsi %mul3A_105, %jit3A_106 : i32
    %sign3A_108 = arith.constant 0 : i32
    %sign3A_109 = arith.cmpi sgt, %mul3A_105, %sign3A_108 : i32
    %sign3A_110 = arith.extui %sign3A_109 : i1 to i32
    %sign3A_111 = arith.constant 0 : i32
    %sign3A_112 = arith.cmpi slt, %mul3A_105, %sign3A_111 : i32
    %sign3A_113 = arith.extui %sign3A_112 : i1 to i32
    %sign3A_114 = arith.subi %sign3A_110, %sign3A_113 : i32
    %sign3A_115 = arith.constant 0 : i32
    %sign3A_116 = arith.cmpi sgt, %jit3A_106, %sign3A_115 : i32
    %sign3A_117 = arith.extui %sign3A_116 : i1 to i32
    %sign3A_118 = arith.constant 0 : i32
    %sign3A_119 = arith.cmpi slt, %jit3A_106, %sign3A_118 : i32
    %sign3A_120 = arith.extui %sign3A_119 : i1 to i32
    %sign3A_121 = arith.subi %sign3A_117, %sign3A_120 : i32
    %ne3A_122 = arith.cmpi ne, %sign3A_114, %sign3A_121 : i32
    %rem3A_123 = arith.remsi %mul3A_105, %jit3A_106 : i32
    %ne3A_124 = arith.constant 0 : i32
    %ne3A_125 = arith.cmpi ne, %rem3A_123, %ne3A_124 : i32
    %and3A_126 = arith.andi %ne3A_122, %ne3A_125 : i1
    %sub3A_127 = arith.constant 1 : i32
    %sub3A_128 = arith.subi %div3A_107, %sub3A_127 : i32
    %select_n3A_129 = arith.select %and3A_126, %sub3A_128, %div3A_107 : i32
    "tpu.region"() ({
      %run_scoped3A_223 = tpu.sem_alloc : memref<!tpu.dma_semaphore, #tpu.memory_space<semaphore_mem>>
      %dma_start3A_224 = arith.constant 0 : i32
      %dma_start3A_225 = tpu.memref_slice %arg3[%select_n3A_129, %dma_start3A_224] : memref<10240x16xf32, #tpu.memory_space<hbm>> -> memref<160x16xf32, #tpu.memory_space<hbm>>
      %dma_start3A_226 = arith.constant 0 : i32
      %dma_start3A_227 = tpu.memref_slice %arg3[%select_n3A_129, %dma_start3A_226] : memref<10240x16xf32, #tpu.memory_space<hbm>> -> memref<160x16xf32, #tpu.memory_space<hbm>>
      tpu.enqueue_dma source(%dma_start3A_227 : memref<160x16xf32, #tpu.memory_space<hbm>>) target(%arg12 : memref<160x16xf32, #tpu.memory_space<vmem>>) target_semaphore(%run_scoped3A_223 : memref<!tpu.dma_semaphore, #tpu.memory_space<semaphore_mem>>)
      %dma_wait3A_228 = arith.constant 0 : i32
      %dma_wait3A_229 = tpu.memref_slice %arg3[%select_n3A_129, %dma_wait3A_228] : memref<10240x16xf32, #tpu.memory_space<hbm>> -> memref<160x16xf32, #tpu.memory_space<hbm>>
      %dma_wait3A_230 = arith.constant 0 : i32
      %dma_wait3A_231 = tpu.memref_slice %arg3[%select_n3A_129, %dma_wait3A_230] : memref<10240x16xf32, #tpu.memory_space<hbm>> -> memref<160x16xf32, #tpu.memory_space<hbm>>
      tpu.wait_dma2 semaphore(%run_scoped3A_223 : memref<!tpu.dma_semaphore, #tpu.memory_space<semaphore_mem>>) src(%dma_wait3A_231 : memref<160x16xf32, #tpu.memory_space<hbm>>) dst(%arg12 : memref<160x16xf32, #tpu.memory_space<vmem>>)
      tpu.yield
    }) : () -> ()
    "tpu.region"() ({
      %run_scoped3A_223 = tpu.sem_alloc : memref<!tpu.dma_semaphore, #tpu.memory_space<semaphore_mem>>
      %dma_start3A_224 = arith.constant 0 : i32
      %dma_start3A_225 = tpu.memref_slice %arg2[%add3A_75, %dma_start3A_224] : memref<10240x48xf32, #tpu.memory_space<hbm>> -> memref<320x48xf32, #tpu.memory_space<hbm>>
      %dma_start3A_226 = arith.constant 0 : i32
      %dma_start3A_227 = tpu.memref_slice %arg2[%add3A_75, %dma_start3A_226] : memref<10240x48xf32, #tpu.memory_space<hbm>> -> memref<320x48xf32, #tpu.memory_space<hbm>>
      tpu.enqueue_dma source(%dma_start3A_227 : memref<320x48xf32, #tpu.memory_space<hbm>>) target(%arg10 : memref<320x48xf32, #tpu.memory_space<vmem>>) target_semaphore(%run_scoped3A_223 : memref<!tpu.dma_semaphore, #tpu.memory_space<semaphore_mem>>)
      %dma_wait3A_228 = arith.constant 0 : i32
      %dma_wait3A_229 = tpu.memref_slice %arg2[%add3A_75, %dma_wait3A_228] : memref<10240x48xf32, #tpu.memory_space<hbm>> -> memref<320x48xf32, #tpu.memory_space<hbm>>
      %dma_wait3A_230 = arith.constant 0 : i32
      %dma_wait3A_231 = tpu.memref_slice %arg2[%add3A_75, %dma_wait3A_230] : memref<10240x48xf32, #tpu.memory_space<hbm>> -> memref<320x48xf32, #tpu.memory_space<hbm>>
      tpu.wait_dma2 semaphore(%run_scoped3A_223 : memref<!tpu.dma_semaphore, #tpu.memory_space<semaphore_mem>>) src(%dma_wait3A_231 : memref<320x48xf32, #tpu.memory_space<hbm>>) dst(%arg10 : memref<320x48xf32, #tpu.memory_space<vmem>>)
      tpu.yield
    }) : () -> ()
    %scan3A_130 = arith.constant 0 : i32
    %scan3A_131 = arith.constant 160 : i32
    %scan3A_132 = arith.addi %scan3A_130, %scan3A_131 : i32
    %scan3A_133 = arith.constant 1 : i32
    scf.for %scan3A_223 = %scan3A_130 to %scan3A_132 step %scan3A_133  : i32 {
      %mul3A_224 = arith.constant 1 : i32
      %mul3A_225 = arith.muli %scan3A_223, %mul3A_224 : i32
      %add3A_226 = arith.constant 0 : i32
      %add3A_227 = arith.addi %add3A_226, %mul3A_225 : i32
      %get3A = arith.index_cast %add3A_227 : i32 to index
      %get3A_228 = arith.constant 0 : index
      %get3A_229 = tpu.vector_load %arg11[%get3A, %get3A_228] {strides = array<i32>} : memref<160x16xf32, #tpu.memory_space<vmem>>, vector<16xf32>,
      %get3A_230 = arith.index_cast %add3A_227 : i32 to index
      %get3A_231 = arith.constant 0 : index
      %get3A_232 = tpu.vector_load %arg12[%get3A_230, %get3A_231] {strides = array<i32>} : memref<160x16xf32, #tpu.memory_space<vmem>>, vector<16xf32>,
      %add3A_233 = arith.addf %get3A_229, %get3A_232 : vector<16xf32>
      %add3A_234 = arith.constant 1.000000e+00 : f32
      %add3A_235 = vector.broadcast %add3A_234 : f32 to vector<16xf32>
      %add3A_236 = arith.addf %add3A_233, %add3A_235 : vector<16xf32>
      %bitcast3A = vector.bitcast %add3A_236 : vector<16xf32> to vector<16xi32>
      %shift_right_arithmetic3A = arith.constant 1 : i32
      %shift_right_arithmetic3A_237 = vector.broadcast %shift_right_arithmetic3A : i32 to vector<16xi32>
      %shift_right_arithmetic3A_238 = arith.shrsi %bitcast3A, %shift_right_arithmetic3A_237 : vector<16xi32>
      %sub3A_239 = arith.constant 1597463007 : i32
      %sub3A_240 = vector.broadcast %sub3A_239 : i32 to vector<16xi32>
      %sub3A_241 = arith.subi %sub3A_240, %shift_right_arithmetic3A_238 : vector<16xi32>
      %bitcast3A_242 = vector.bitcast %sub3A_241 : vector<16xi32> to vector<16xf32>
      %mul3A_243 = arith.constant 5.000000e-01 : f32
      %mul3A_244 = vector.broadcast %mul3A_243 : f32 to vector<16xf32>
      %mul3A_245 = arith.mulf %mul3A_244, %add3A_236 : vector<16xf32>
      %mul3A_246 = arith.mulf %mul3A_245, %bitcast3A_242 : vector<16xf32>
      %mul3A_247 = arith.mulf %mul3A_246, %bitcast3A_242 : vector<16xf32>
      %sub3A_248 = arith.constant 1.500000e+00 : f32
      %sub3A_249 = vector.broadcast %sub3A_248 : f32 to vector<16xf32>
      %sub3A_250 = arith.subf %sub3A_249, %mul3A_247 : vector<16xf32>
      %mul3A_251 = arith.mulf %bitcast3A_242, %sub3A_250 : vector<16xf32>
      %mul3A_252 = arith.constant 5.000000e-01 : f32
      %mul3A_253 = vector.broadcast %mul3A_252 : f32 to vector<16xf32>
      %mul3A_254 = arith.mulf %mul3A_253, %add3A_236 : vector<16xf32>
      %mul3A_255 = arith.mulf %mul3A_254, %mul3A_251 : vector<16xf32>
      %mul3A_256 = arith.mulf %mul3A_255, %mul3A_251 : vector<16xf32>
      %sub3A_257 = arith.constant 1.500000e+00 : f32
      %sub3A_258 = vector.broadcast %sub3A_257 : f32 to vector<16xf32>
      %sub3A_259 = arith.subf %sub3A_258, %mul3A_256 : vector<16xf32>
      %mul3A_260 = arith.mulf %mul3A_251, %sub3A_259 : vector<16xf32>
      %mul3A_261 = arith.constant 5.000000e-01 : f32
      %mul3A_262 = vector.broadcast %mul3A_261 : f32 to vector<16xf32>
      %mul3A_263 = arith.mulf %mul3A_262, %add3A_236 : vector<16xf32>
      %mul3A_264 = arith.mulf %mul3A_263, %mul3A_260 : vector<16xf32>
      %mul3A_265 = arith.mulf %mul3A_264, %mul3A_260 : vector<16xf32>
      %sub3A_266 = arith.constant 1.500000e+00 : f32
      %sub3A_267 = vector.broadcast %sub3A_266 : f32 to vector<16xf32>
      %sub3A_268 = arith.subf %sub3A_267, %mul3A_265 : vector<16xf32>
      %mul3A_269 = arith.mulf %mul3A_260, %sub3A_268 : vector<16xf32>
      %mul3A_270 = arith.constant 16 : i32
      %mul3A_271 = arith.muli %add3A_227, %mul3A_270 : i32
      %add3A_272 = arith.constant 2560 : i32
      %add3A_273 = arith.addi %add3A_272, %mul3A_271 : i32
      %swap3A = arith.index_cast %add3A_273 : i32 to index
      %swap3A_274 = tpu.vector_load %arg13[%swap3A] {strides = array<i32>} : memref<5120xf32, #tpu.memory_space<vmem>>, vector<16xf32>,
      tpu.vector_store %arg13[%swap3A], %mul3A_269 {strides = array<i32>} : memref<5120xf32, #tpu.memory_space<vmem>>, vector<16xf32>,
    }
    %scan3A_134 = arith.constant 160 : i32
    %scan3A_135 = arith.constant 0 : i32
    %scan3A_136 = arith.constant 320 : i32
    %scan3A_137 = arith.addi %scan3A_135, %scan3A_136 : i32
    %scan3A_138 = arith.constant 1 : i32
    scf.for %scan3A_223 = %scan3A_135 to %scan3A_137 step %scan3A_138  : i32 {
      %mul3A_224 = arith.constant 1 : i32
      %mul3A_225 = arith.muli %scan3A_223, %mul3A_224 : i32
      %add3A_226 = arith.constant 0 : i32
      %add3A_227 = arith.addi %add3A_226, %mul3A_225 : i32
      %iota3A = tpu.iota {dimensions = array<i32: 0>} : vector<16xi32>
      %mul3A_228 = arith.constant 0 : i32
      %mul3A_229 = vector.broadcast %mul3A_228 : i32 to vector<16xi32>
      %mul3A_230 = arith.muli %iota3A, %mul3A_229 : vector<16xi32>
      %add3A_231 = arith.constant 320 : i32
      %add3A_232 = arith.addi %add3A_231, %add3A_227 : i32
      %mul3A_233 = arith.constant 8 : i32
      %mul3A_234 = arith.muli %add3A_232, %mul3A_233 : i32
      %add3A_235 = vector.broadcast %mul3A_234 : i32 to vector<16xi32>
      %add3A_236 = arith.addi %mul3A_230, %add3A_235 : vector<16xi32>
      %gather3A = tpu.vector_load_idx %arg13[%add3A_236] : memref<5120xf32, #tpu.memory_space<vmem>>[vector<16xi32>], vector<16xf32>,
      %get3A = arith.index_cast %add3A_227 : i32 to index
      %get3A_237 = arith.constant 0 : index
      %get3A_238 = tpu.vector_load %arg10[%get3A, %get3A_237] {strides = array<i32>} : memref<320x48xf32, #tpu.memory_space<vmem>>, vector<16xf32>,
      %mul3A_239 = arith.mulf %get3A_238, %gather3A : vector<16xf32>
      %swap3A = arith.index_cast %add3A_227 : i32 to index
      %swap3A_240 = arith.constant 0 : index
      %swap3A_241 = tpu.vector_load %arg10[%swap3A, %swap3A_240] {strides = array<i32>} : memref<320x48xf32, #tpu.memory_space<vmem>>, vector<16xf32>,
      tpu.vector_store %arg10[%swap3A, %swap3A_240], %mul3A_239 {strides = array<i32>} : memref<320x48xf32, #tpu.memory_space<vmem>>, vector<16xf32>,
      %get3A_242 = arith.index_cast %add3A_227 : i32 to index
      %get3A_243 = arith.constant 16 : index
      %get3A_244 = tpu.vector_load %arg10[%get3A_242, %get3A_243] {strides = array<i32>} : memref<320x48xf32, #tpu.memory_space<vmem>>, vector<16xf32>,
      %mul3A_245 = arith.mulf %get3A_244, %gather3A : vector<16xf32>
      %swap3A_246 = arith.index_cast %add3A_227 : i32 to index
      %swap3A_247 = arith.constant 16 : index
      %swap3A_248 = tpu.vector_load %arg10[%swap3A_246, %swap3A_247] {strides = array<i32>} : memref<320x48xf32, #tpu.memory_space<vmem>>, vector<16xf32>,
      tpu.vector_store %arg10[%swap3A_246, %swap3A_247], %mul3A_245 {strides = array<i32>} : memref<320x48xf32, #tpu.memory_space<vmem>>, vector<16xf32>,
      %get3A_249 = arith.index_cast %add3A_227 : i32 to index
      %get3A_250 = arith.constant 32 : index
      %get3A_251 = tpu.vector_load %arg10[%get3A_249, %get3A_250] {strides = array<i32>} : memref<320x48xf32, #tpu.memory_space<vmem>>, vector<16xf32>,
      %mul3A_252 = arith.mulf %get3A_251, %gather3A : vector<16xf32>
      %swap3A_253 = arith.index_cast %add3A_227 : i32 to index
      %swap3A_254 = arith.constant 32 : index
      %swap3A_255 = tpu.vector_load %arg10[%swap3A_253, %swap3A_254] {strides = array<i32>} : memref<320x48xf32, #tpu.memory_space<vmem>>, vector<16xf32>,
      tpu.vector_store %arg10[%swap3A_253, %swap3A_254], %mul3A_252 {strides = array<i32>} : memref<320x48xf32, #tpu.memory_space<vmem>>, vector<16xf32>,
    }
    %scan3A_139 = arith.constant 320 : i32
    "tpu.region"() ({
      %run_scoped3A_223 = tpu.sem_alloc : memref<!tpu.dma_semaphore, #tpu.memory_space<semaphore_mem>>
      %dma_start3A_224 = arith.constant 0 : i32
      %dma_start3A_225 = tpu.memref_slice %arg14[%add3A_75, %dma_start3A_224] : memref<10240x48xf32, #tpu.memory_space<vmem_shared>> -> memref<320x48xf32, #tpu.memory_space<vmem_shared>>
      %dma_start3A_226 = arith.constant 0 : i32
      %dma_start3A_227 = tpu.memref_slice %arg14[%add3A_75, %dma_start3A_226] : memref<10240x48xf32, #tpu.memory_space<vmem_shared>> -> memref<320x48xf32, #tpu.memory_space<vmem_shared>>
      tpu.enqueue_dma source(%arg10 : memref<320x48xf32, #tpu.memory_space<vmem>>) target(%dma_start3A_227 : memref<320x48xf32, #tpu.memory_space<vmem_shared>>) target_semaphore(%run_scoped3A_223 : memref<!tpu.dma_semaphore, #tpu.memory_space<semaphore_mem>>)
      %dma_wait3A_228 = arith.constant 0 : i32
      %dma_wait3A_229 = tpu.memref_slice %arg14[%add3A_75, %dma_wait3A_228] : memref<10240x48xf32, #tpu.memory_space<vmem_shared>> -> memref<320x48xf32, #tpu.memory_space<vmem_shared>>
      %dma_wait3A_230 = arith.constant 0 : i32
      %dma_wait3A_231 = tpu.memref_slice %arg14[%add3A_75, %dma_wait3A_230] : memref<10240x48xf32, #tpu.memory_space<vmem_shared>> -> memref<320x48xf32, #tpu.memory_space<vmem_shared>>
      tpu.wait_dma2 semaphore(%run_scoped3A_223 : memref<!tpu.dma_semaphore, #tpu.memory_space<semaphore_mem>>) src(%arg10 : memref<320x48xf32, #tpu.memory_space<vmem>>) dst(%dma_wait3A_231 : memref<320x48xf32, #tpu.memory_space<vmem_shared>>)
      tpu.yield
    }) : () -> ()
    %eq3A_140 = arith.constant 0 : i32
    %eq3A_141 = arith.cmpi eq, %arg0, %eq3A_140 : i32
    %convert_element_type3A_142 = arith.extui %eq3A_141 : i1 to i32
    %cond3A_143 = arith.constant 0 : i32
    %cond3A_144 = arith.cmpi ne, %convert_element_type3A_142, %cond3A_143 : i32
    scf.if %cond3A_144 {
      "tpu.region"() ({
        %run_scoped3A_223 = tpu.sem_alloc : memref<!tpu.dma_semaphore, #tpu.memory_space<semaphore_mem>>
        %dma_start3A_224 = arith.constant 0 : i32
        %dma_start3A_225 = tpu.memref_slice %arg15[%add3A_75, %dma_start3A_224] : memref<10240x48xf32, #tpu.memory_space<vmem_shared>> -> memref<320x48xf32, #tpu.memory_space<vmem_shared>>
        %dma_start3A_226 = arith.constant 0 : i32
        %dma_start3A_227 = tpu.memref_slice %arg15[%add3A_75, %dma_start3A_226] : memref<10240x48xf32, #tpu.memory_space<vmem_shared>> -> memref<320x48xf32, #tpu.memory_space<vmem_shared>>
        tpu.enqueue_dma source(%arg10 : memref<320x48xf32, #tpu.memory_space<vmem>>) target(%dma_start3A_227 : memref<320x48xf32, #tpu.memory_space<vmem_shared>>) target_semaphore(%run_scoped3A_223 : memref<!tpu.dma_semaphore, #tpu.memory_space<semaphore_mem>>)
        %dma_wait3A_228 = arith.constant 0 : i32
        %dma_wait3A_229 = tpu.memref_slice %arg15[%add3A_75, %dma_wait3A_228] : memref<10240x48xf32, #tpu.memory_space<vmem_shared>> -> memref<320x48xf32, #tpu.memory_space<vmem_shared>>
        %dma_wait3A_230 = arith.constant 0 : i32
        %dma_wait3A_231 = tpu.memref_slice %arg15[%add3A_75, %dma_wait3A_230] : memref<10240x48xf32, #tpu.memory_space<vmem_shared>> -> memref<320x48xf32, #tpu.memory_space<vmem_shared>>
        tpu.wait_dma2 semaphore(%run_scoped3A_223 : memref<!tpu.dma_semaphore, #tpu.memory_space<semaphore_mem>>) src(%arg10 : memref<320x48xf32, #tpu.memory_space<vmem>>) dst(%dma_wait3A_231 : memref<320x48xf32, #tpu.memory_space<vmem_shared>>)
        tpu.yield
      }) : () -> ()
    } else {
    }
    %ne3A_145 = arith.constant 0 : i32
    %ne3A_146 = arith.cmpi ne, %arg0, %ne3A_145 : i32
    %convert_element_type3A_147 = arith.extui %ne3A_146 : i1 to i32
    %cond3A_148 = arith.constant 0 : i32
    %cond3A_149 = arith.cmpi ne, %convert_element_type3A_147, %cond3A_148 : i32
    scf.if %cond3A_149 {
      "tpu.region"() ({
        %run_scoped3A_223 = tpu.sem_alloc : memref<!tpu.dma_semaphore, #tpu.memory_space<semaphore_mem>>
        %dma_start3A_224 = arith.constant 0 : i32
        %dma_start3A_225 = tpu.memref_slice %arg15[%add3A_75, %dma_start3A_224] : memref<10240x48xf32, #tpu.memory_space<vmem_shared>> -> memref<320x48xf32, #tpu.memory_space<vmem_shared>>
        %dma_start3A_226 = arith.constant 320 : i32
        %dma_start3A_227 = arith.constant 0 : i32
        %dma_start3A_228 = tpu.memref_slice %arg5[%dma_start3A_226, %dma_start3A_227] : memref<640x48xf32, #tpu.memory_space<hbm>> -> memref<320x48xf32, #tpu.memory_space<hbm>>
        tpu.enqueue_dma source(%dma_start3A_228 : memref<320x48xf32, #tpu.memory_space<hbm>>) target(%dma_start3A_225 : memref<320x48xf32, #tpu.memory_space<vmem_shared>>) target_semaphore(%run_scoped3A_223 : memref<!tpu.dma_semaphore, #tpu.memory_space<semaphore_mem>>)
        %dma_wait3A_229 = arith.constant 0 : i32
        %dma_wait3A_230 = tpu.memref_slice %arg15[%add3A_75, %dma_wait3A_229] : memref<10240x48xf32, #tpu.memory_space<vmem_shared>> -> memref<320x48xf32, #tpu.memory_space<vmem_shared>>
        %dma_wait3A_231 = arith.constant 320 : i32
        %dma_wait3A_232 = arith.constant 0 : i32
        %dma_wait3A_233 = tpu.memref_slice %arg5[%dma_wait3A_231, %dma_wait3A_232] : memref<640x48xf32, #tpu.memory_space<hbm>> -> memref<320x48xf32, #tpu.memory_space<hbm>>
        tpu.wait_dma2 semaphore(%run_scoped3A_223 : memref<!tpu.dma_semaphore, #tpu.memory_space<semaphore_mem>>) src(%dma_wait3A_233 : memref<320x48xf32, #tpu.memory_space<hbm>>) dst(%dma_wait3A_230 : memref<320x48xf32, #tpu.memory_space<vmem_shared>>)
        tpu.yield
      }) : () -> ()
    } else {
    }
    %barrier3A = arith.constant 0 : index
    tpu.barrier barrier_id(%barrier3A)
    %dma_start3A = arith.constant 0 : i32
    %dma_start3A_150 = arith.constant 0 : i32
    %dma_start3A_151 = arith.constant 0 : i32
    %dma_start3A_152 = arith.constant 0 : i32
    %dma_start3A_153 = arith.constant 0 : i32
    %dma_start3A_154 = tpu.memref_slice %arg9[%dma_start3A_150, %dma_start3A_152, %dma_start3A_153] : memref<2x128x48xf32, #tpu.memory_space<vmem>> -> memref<1x128x48xf32, #tpu.memory_space<vmem>>
    %dma_start3A_155 = tpu.memref_squeeze %dma_start3A_154 : memref<1x128x48xf32, #tpu.memory_space<vmem>> -> memref<128x48xf32, #tpu.memory_space<vmem>>
    %dma_start3A_156 = arith.constant 0 : i32
    %dma_start3A_157 = tpu.memref_slice %arg7[%dma_start3A, %dma_start3A_156] : memref<80x128xi32, #tpu.memory_space<vmem>> -> memref<1x128xi32, #tpu.memory_space<vmem>>
    %dma_start3A_158 = tpu.memref_squeeze %dma_start3A_157 : memref<1x128xi32, #tpu.memory_space<vmem>> -> memref<128xi32, #tpu.memory_space<vmem>>
    %dma_start3A_159 = arith.constant 0 : i32
    %dma_start3A_160 = arith.constant 0 : i32
    %dma_start3A_161 = tpu.memref_slice %arg14[%dma_start3A_159, %dma_start3A_160] : memref<10240x48xf32, #tpu.memory_space<vmem_shared>> -> memref<10240x48xf32, #tpu.memory_space<vmem_shared>>
    %dma_start3A_162 = tpu.memref_slice %arg16[%dma_start3A_151] : memref<2x!tpu.dma_semaphore, #tpu.memory_space<semaphore_mem>> -> memref<1x!tpu.dma_semaphore, #tpu.memory_space<semaphore_mem>>
    %dma_start3A_163 = tpu.memref_squeeze %dma_start3A_162 : memref<1x!tpu.dma_semaphore, #tpu.memory_space<semaphore_mem>> -> memref<!tpu.dma_semaphore, #tpu.memory_space<semaphore_mem>>
    tpu.enqueue_indirect_dma source(%dma_start3A_161 : memref<10240x48xf32, #tpu.memory_space<vmem_shared>>) target(%dma_start3A_155 : memref<128x48xf32, #tpu.memory_space<vmem>>) offsets(%dma_start3A_158 : memref<128xi32, #tpu.memory_space<vmem>>) semaphore(%dma_start3A_163 : memref<!tpu.dma_semaphore, #tpu.memory_space<semaphore_mem>>)
    %dma_start3A_164 = arith.constant 1 : i32
    %dma_start3A_165 = arith.constant 1 : i32
    %dma_start3A_166 = arith.constant 1 : i32
    %dma_start3A_167 = arith.constant 0 : i32
    %dma_start3A_168 = arith.constant 0 : i32
    %dma_start3A_169 = tpu.memref_slice %arg9[%dma_start3A_165, %dma_start3A_167, %dma_start3A_168] : memref<2x128x48xf32, #tpu.memory_space<vmem>> -> memref<1x128x48xf32, #tpu.memory_space<vmem>>
    %dma_start3A_170 = tpu.memref_squeeze %dma_start3A_169 : memref<1x128x48xf32, #tpu.memory_space<vmem>> -> memref<128x48xf32, #tpu.memory_space<vmem>>
    %dma_start3A_171 = arith.constant 0 : i32
    %dma_start3A_172 = tpu.memref_slice %arg7[%dma_start3A_164, %dma_start3A_171] : memref<80x128xi32, #tpu.memory_space<vmem>> -> memref<1x128xi32, #tpu.memory_space<vmem>>
    %dma_start3A_173 = tpu.memref_squeeze %dma_start3A_172 : memref<1x128xi32, #tpu.memory_space<vmem>> -> memref<128xi32, #tpu.memory_space<vmem>>
    %dma_start3A_174 = arith.constant 0 : i32
    %dma_start3A_175 = arith.constant 0 : i32
    %dma_start3A_176 = tpu.memref_slice %arg14[%dma_start3A_174, %dma_start3A_175] : memref<10240x48xf32, #tpu.memory_space<vmem_shared>> -> memref<10240x48xf32, #tpu.memory_space<vmem_shared>>
    %dma_start3A_177 = tpu.memref_slice %arg16[%dma_start3A_166] : memref<2x!tpu.dma_semaphore, #tpu.memory_space<semaphore_mem>> -> memref<1x!tpu.dma_semaphore, #tpu.memory_space<semaphore_mem>>
    %dma_start3A_178 = tpu.memref_squeeze %dma_start3A_177 : memref<1x!tpu.dma_semaphore, #tpu.memory_space<semaphore_mem>> -> memref<!tpu.dma_semaphore, #tpu.memory_space<semaphore_mem>>
    tpu.enqueue_indirect_dma source(%dma_start3A_176 : memref<10240x48xf32, #tpu.memory_space<vmem_shared>>) target(%dma_start3A_170 : memref<128x48xf32, #tpu.memory_space<vmem>>) offsets(%dma_start3A_173 : memref<128xi32, #tpu.memory_space<vmem>>) semaphore(%dma_start3A_178 : memref<!tpu.dma_semaphore, #tpu.memory_space<semaphore_mem>>)
    %scan3A_179 = arith.constant 0 : i32
    %scan3A_180 = arith.constant 80 : i32
    %scan3A_181 = arith.addi %scan3A_179, %scan3A_180 : i32
    %scan3A_182 = arith.constant 1 : i32
    scf.for %scan3A_223 = %scan3A_179 to %scan3A_181 step %scan3A_182  : i32 {
      %mul3A_224 = arith.constant 1 : i32
      %mul3A_225 = arith.muli %scan3A_223, %mul3A_224 : i32
      %add3A_226 = arith.constant 0 : i32
      %add3A_227 = arith.addi %add3A_226, %mul3A_225 : i32
      %jit3A_228 = arith.constant 2 : i32
      %eq3A_229 = arith.constant 0 : i32
      %eq3A_230 = arith.cmpi eq, %jit3A_228, %eq3A_229 : i32
      %jit3A_231 = arith.constant 1 : i32
      %select_n3A_232 = arith.select %eq3A_230, %jit3A_231, %jit3A_228 : i32
      %rem3A_233 = arith.remsi %add3A_227, %select_n3A_232 : i32
      %ne3A_234 = arith.constant 0 : i32
      %ne3A_235 = arith.cmpi ne, %rem3A_233, %ne3A_234 : i32
      %lt3A = arith.constant 0 : i32
      %lt3A_236 = arith.cmpi slt, %rem3A_233, %lt3A : i32
      %lt3A_237 = arith.constant 0 : i32
      %lt3A_238 = arith.cmpi slt, %select_n3A_232, %lt3A_237 : i32
      %ne3A_239 = arith.xori %lt3A_236, %lt3A_238 : i1
      %and3A_240 = arith.andi %ne3A_239, %ne3A_235 : i1
      %add3A_241 = arith.addi %rem3A_233, %select_n3A_232 : i32
      %select_n3A_242 = arith.select %and3A_240, %add3A_241, %rem3A_233 : i32
      %add3A_243 = arith.constant 2 : i32
      %add3A_244 = arith.addi %add3A_227, %add3A_243 : i32
      %sub3A_245 = arith.constant 1 : i32
      %sub3A_246 = arith.subi %add3A_244, %sub3A_245 : i32
      %jit3A_247 = arith.constant 2 : i32
      %eq3A_248 = arith.constant 0 : i32
      %eq3A_249 = arith.cmpi eq, %jit3A_247, %eq3A_248 : i32
      %jit3A_250 = arith.constant 1 : i32
      %select_n3A_251 = arith.select %eq3A_249, %jit3A_250, %jit3A_247 : i32
      %rem3A_252 = arith.remsi %sub3A_246, %select_n3A_251 : i32
      %ne3A_253 = arith.constant 0 : i32
      %ne3A_254 = arith.cmpi ne, %rem3A_252, %ne3A_253 : i32
      %lt3A_255 = arith.constant 0 : i32
      %lt3A_256 = arith.cmpi slt, %rem3A_252, %lt3A_255 : i32
      %lt3A_257 = arith.constant 0 : i32
      %lt3A_258 = arith.cmpi slt, %select_n3A_251, %lt3A_257 : i32
      %ne3A_259 = arith.xori %lt3A_256, %lt3A_258 : i1
      %and3A_260 = arith.andi %ne3A_259, %ne3A_254 : i1
      %add3A_261 = arith.addi %rem3A_252, %select_n3A_251 : i32
      %select_n3A_262 = arith.select %and3A_260, %add3A_261, %rem3A_252 : i32
      %ge3A = arith.constant 1 : i32
      %ge3A_263 = arith.cmpi sge, %add3A_227, %ge3A : i32
      %convert_element_type3A_264 = arith.extui %ge3A_263 : i1 to i32
      %cond3A_265 = arith.constant 0 : i32
      %cond3A_266 = arith.cmpi ne, %convert_element_type3A_264, %cond3A_265 : i32
      scf.if %cond3A_266 {
        %sub3A_291 = arith.constant 1 : i32
        %sub3A_292 = arith.subi %add3A_227, %sub3A_291 : i32
        %dma_wait3A_293 = arith.constant 0 : i32
        %dma_wait3A_294 = arith.constant 0 : i32
        %dma_wait3A_295 = tpu.memref_slice %arg9[%select_n3A_262, %dma_wait3A_293, %dma_wait3A_294] : memref<2x128x48xf32, #tpu.memory_space<vmem>> -> memref<1x128x48xf32, #tpu.memory_space<vmem>>
        %dma_wait3A_296 = tpu.memref_squeeze %dma_wait3A_295 : memref<1x128x48xf32, #tpu.memory_space<vmem>> -> memref<128x48xf32, #tpu.memory_space<vmem>>
        %dma_wait3A_297 = arith.constant 0 : i32
        %dma_wait3A_298 = tpu.memref_slice %arg8[%sub3A_292, %dma_wait3A_297] : memref<80x128xi32, #tpu.memory_space<vmem>> -> memref<1x128xi32, #tpu.memory_space<vmem>>
        %dma_wait3A_299 = tpu.memref_squeeze %dma_wait3A_298 : memref<1x128xi32, #tpu.memory_space<vmem>> -> memref<128xi32, #tpu.memory_space<vmem>>
        %dma_wait3A_300 = arith.constant 0 : i32
        %dma_wait3A_301 = arith.constant 0 : i32
        %dma_wait3A_302 = tpu.memref_slice %arg15[%dma_wait3A_300, %dma_wait3A_301] : memref<10240x48xf32, #tpu.memory_space<vmem_shared>> -> memref<10240x48xf32, #tpu.memory_space<vmem_shared>>
        %dma_wait3A_303 = tpu.memref_slice %arg17[%select_n3A_262] : memref<2x!tpu.dma_semaphore, #tpu.memory_space<semaphore_mem>> -> memref<1x!tpu.dma_semaphore, #tpu.memory_space<semaphore_mem>>
        %dma_wait3A_304 = tpu.memref_squeeze %dma_wait3A_303 : memref<1x!tpu.dma_semaphore, #tpu.memory_space<semaphore_mem>> -> memref<!tpu.dma_semaphore, #tpu.memory_space<semaphore_mem>>
        tpu.wait_indirect_dma semaphore(%dma_wait3A_304 : memref<!tpu.dma_semaphore, #tpu.memory_space<semaphore_mem>>) src(%dma_wait3A_296 : memref<128x48xf32, #tpu.memory_space<vmem>>) dst(%dma_wait3A_302 : memref<10240x48xf32, #tpu.memory_space<vmem_shared>>)
        %add3A_305 = arith.constant 2 : i32
        %add3A_306 = arith.addi %add3A_227, %add3A_305 : i32
        %sub3A_307 = arith.constant 1 : i32
        %sub3A_308 = arith.subi %add3A_306, %sub3A_307 : i32
        %lt3A_309 = arith.constant 80 : i32
        %lt3A_310 = arith.cmpi slt, %sub3A_308, %lt3A_309 : i32
        %convert_element_type3A_311 = arith.extui %lt3A_310 : i1 to i32
        %cond3A_312 = arith.constant 0 : i32
        %cond3A_313 = arith.cmpi ne, %convert_element_type3A_311, %cond3A_312 : i32
        scf.if %cond3A_313 {
          %add3A_314 = arith.constant 2 : i32
          %add3A_315 = arith.addi %add3A_227, %add3A_314 : i32
          %sub3A_316 = arith.constant 1 : i32
          %sub3A_317 = arith.subi %add3A_315, %sub3A_316 : i32
          %dma_start3A_318 = arith.constant 0 : i32
          %dma_start3A_319 = arith.constant 0 : i32
          %dma_start3A_320 = tpu.memref_slice %arg9[%select_n3A_262, %dma_start3A_318, %dma_start3A_319] : memref<2x128x48xf32, #tpu.memory_space<vmem>> -> memref<1x128x48xf32, #tpu.memory_space<vmem>>
          %dma_start3A_321 = tpu.memref_squeeze %dma_start3A_320 : memref<1x128x48xf32, #tpu.memory_space<vmem>> -> memref<128x48xf32, #tpu.memory_space<vmem>>
          %dma_start3A_322 = arith.constant 0 : i32
          %dma_start3A_323 = tpu.memref_slice %arg7[%sub3A_317, %dma_start3A_322] : memref<80x128xi32, #tpu.memory_space<vmem>> -> memref<1x128xi32, #tpu.memory_space<vmem>>
          %dma_start3A_324 = tpu.memref_squeeze %dma_start3A_323 : memref<1x128xi32, #tpu.memory_space<vmem>> -> memref<128xi32, #tpu.memory_space<vmem>>
          %dma_start3A_325 = arith.constant 0 : i32
          %dma_start3A_326 = arith.constant 0 : i32
          %dma_start3A_327 = tpu.memref_slice %arg14[%dma_start3A_325, %dma_start3A_326] : memref<10240x48xf32, #tpu.memory_space<vmem_shared>> -> memref<10240x48xf32, #tpu.memory_space<vmem_shared>>
          %dma_start3A_328 = tpu.memref_slice %arg16[%select_n3A_262] : memref<2x!tpu.dma_semaphore, #tpu.memory_space<semaphore_mem>> -> memref<1x!tpu.dma_semaphore, #tpu.memory_space<semaphore_mem>>
          %dma_start3A_329 = tpu.memref_squeeze %dma_start3A_328 : memref<1x!tpu.dma_semaphore, #tpu.memory_space<semaphore_mem>> -> memref<!tpu.dma_semaphore, #tpu.memory_space<semaphore_mem>>
          tpu.enqueue_indirect_dma source(%dma_start3A_327 : memref<10240x48xf32, #tpu.memory_space<vmem_shared>>) target(%dma_start3A_321 : memref<128x48xf32, #tpu.memory_space<vmem>>) offsets(%dma_start3A_324 : memref<128xi32, #tpu.memory_space<vmem>>) semaphore(%dma_start3A_329 : memref<!tpu.dma_semaphore, #tpu.memory_space<semaphore_mem>>)
        } else {
        }
      } else {
      }
      %dma_wait3A_267 = arith.constant 0 : i32
      %dma_wait3A_268 = arith.constant 0 : i32
      %dma_wait3A_269 = tpu.memref_slice %arg9[%select_n3A_242, %dma_wait3A_267, %dma_wait3A_268] : memref<2x128x48xf32, #tpu.memory_space<vmem>> -> memref<1x128x48xf32, #tpu.memory_space<vmem>>
      %dma_wait3A_270 = tpu.memref_squeeze %dma_wait3A_269 : memref<1x128x48xf32, #tpu.memory_space<vmem>> -> memref<128x48xf32, #tpu.memory_space<vmem>>
      %dma_wait3A_271 = arith.constant 0 : i32
      %dma_wait3A_272 = tpu.memref_slice %arg7[%add3A_227, %dma_wait3A_271] : memref<80x128xi32, #tpu.memory_space<vmem>> -> memref<1x128xi32, #tpu.memory_space<vmem>>
      %dma_wait3A_273 = tpu.memref_squeeze %dma_wait3A_272 : memref<1x128xi32, #tpu.memory_space<vmem>> -> memref<128xi32, #tpu.memory_space<vmem>>
      %dma_wait3A_274 = arith.constant 0 : i32
      %dma_wait3A_275 = arith.constant 0 : i32
      %dma_wait3A_276 = tpu.memref_slice %arg14[%dma_wait3A_274, %dma_wait3A_275] : memref<10240x48xf32, #tpu.memory_space<vmem_shared>> -> memref<10240x48xf32, #tpu.memory_space<vmem_shared>>
      %dma_wait3A_277 = tpu.memref_slice %arg16[%select_n3A_242] : memref<2x!tpu.dma_semaphore, #tpu.memory_space<semaphore_mem>> -> memref<1x!tpu.dma_semaphore, #tpu.memory_space<semaphore_mem>>
      %dma_wait3A_278 = tpu.memref_squeeze %dma_wait3A_277 : memref<1x!tpu.dma_semaphore, #tpu.memory_space<semaphore_mem>> -> memref<!tpu.dma_semaphore, #tpu.memory_space<semaphore_mem>>
      tpu.wait_indirect_dma semaphore(%dma_wait3A_278 : memref<!tpu.dma_semaphore, #tpu.memory_space<semaphore_mem>>) src(%dma_wait3A_276 : memref<10240x48xf32, #tpu.memory_space<vmem_shared>>) dst(%dma_wait3A_270 : memref<128x48xf32, #tpu.memory_space<vmem>>)
      %dma_start3A_279 = arith.constant 0 : i32
      %dma_start3A_280 = arith.constant 0 : i32
      %dma_start3A_281 = tpu.memref_slice %arg9[%select_n3A_242, %dma_start3A_279, %dma_start3A_280] : memref<2x128x48xf32, #tpu.memory_space<vmem>> -> memref<1x128x48xf32, #tpu.memory_space<vmem>>
      %dma_start3A_282 = tpu.memref_squeeze %dma_start3A_281 : memref<1x128x48xf32, #tpu.memory_space<vmem>> -> memref<128x48xf32, #tpu.memory_space<vmem>>
      %dma_start3A_283 = arith.constant 0 : i32
      %dma_start3A_284 = tpu.memref_slice %arg8[%add3A_227, %dma_start3A_283] : memref<80x128xi32, #tpu.memory_space<vmem>> -> memref<1x128xi32, #tpu.memory_space<vmem>>
      %dma_start3A_285 = tpu.memref_squeeze %dma_start3A_284 : memref<1x128xi32, #tpu.memory_space<vmem>> -> memref<128xi32, #tpu.memory_space<vmem>>
      %dma_start3A_286 = arith.constant 0 : i32
      %dma_start3A_287 = arith.constant 0 : i32
      %dma_start3A_288 = tpu.memref_slice %arg15[%dma_start3A_286, %dma_start3A_287] : memref<10240x48xf32, #tpu.memory_space<vmem_shared>> -> memref<10240x48xf32, #tpu.memory_space<vmem_shared>>
      %dma_start3A_289 = tpu.memref_slice %arg17[%select_n3A_242] : memref<2x!tpu.dma_semaphore, #tpu.memory_space<semaphore_mem>> -> memref<1x!tpu.dma_semaphore, #tpu.memory_space<semaphore_mem>>
      %dma_start3A_290 = tpu.memref_squeeze %dma_start3A_289 : memref<1x!tpu.dma_semaphore, #tpu.memory_space<semaphore_mem>> -> memref<!tpu.dma_semaphore, #tpu.memory_space<semaphore_mem>>
      tpu.enqueue_indirect_dma source(%dma_start3A_282 : memref<128x48xf32, #tpu.memory_space<vmem>>) target(%dma_start3A_288 : memref<10240x48xf32, #tpu.memory_space<vmem_shared>>) offsets(%dma_start3A_285 : memref<128xi32, #tpu.memory_space<vmem>>) semaphore(%dma_start3A_290 : memref<!tpu.dma_semaphore, #tpu.memory_space<semaphore_mem>>) {add = true}
    }
    %scan3A_183 = arith.constant 80 : i32
    %dma_wait3A = arith.constant 1 : i32
    %dma_wait3A_184 = arith.constant 79 : i32
    %dma_wait3A_185 = arith.constant 1 : i32
    %dma_wait3A_186 = arith.constant 0 : i32
    %dma_wait3A_187 = arith.constant 0 : i32
    %dma_wait3A_188 = tpu.memref_slice %arg9[%dma_wait3A, %dma_wait3A_186, %dma_wait3A_187] : memref<2x128x48xf32, #tpu.memory_space<vmem>> -> memref<1x128x48xf32, #tpu.memory_space<vmem>>
    %dma_wait3A_189 = tpu.memref_squeeze %dma_wait3A_188 : memref<1x128x48xf32, #tpu.memory_space<vmem>> -> memref<128x48xf32, #tpu.memory_space<vmem>>
    %dma_wait3A_190 = arith.constant 0 : i32
    %dma_wait3A_191 = tpu.memref_slice %arg8[%dma_wait3A_184, %dma_wait3A_190] : memref<80x128xi32, #tpu.memory_space<vmem>> -> memref<1x128xi32, #tpu.memory_space<vmem>>
    %dma_wait3A_192 = tpu.memref_squeeze %dma_wait3A_191 : memref<1x128xi32, #tpu.memory_space<vmem>> -> memref<128xi32, #tpu.memory_space<vmem>>
    %dma_wait3A_193 = arith.constant 0 : i32
    %dma_wait3A_194 = arith.constant 0 : i32
    %dma_wait3A_195 = tpu.memref_slice %arg15[%dma_wait3A_193, %dma_wait3A_194] : memref<10240x48xf32, #tpu.memory_space<vmem_shared>> -> memref<10240x48xf32, #tpu.memory_space<vmem_shared>>
    %dma_wait3A_196 = tpu.memref_slice %arg17[%dma_wait3A_185] : memref<2x!tpu.dma_semaphore, #tpu.memory_space<semaphore_mem>> -> memref<1x!tpu.dma_semaphore, #tpu.memory_space<semaphore_mem>>
    %dma_wait3A_197 = tpu.memref_squeeze %dma_wait3A_196 : memref<1x!tpu.dma_semaphore, #tpu.memory_space<semaphore_mem>> -> memref<!tpu.dma_semaphore, #tpu.memory_space<semaphore_mem>>
    tpu.wait_indirect_dma semaphore(%dma_wait3A_197 : memref<!tpu.dma_semaphore, #tpu.memory_space<semaphore_mem>>) src(%dma_wait3A_189 : memref<128x48xf32, #tpu.memory_space<vmem>>) dst(%dma_wait3A_195 : memref<10240x48xf32, #tpu.memory_space<vmem_shared>>)
    %barrier3A_198 = arith.constant 0 : index
    tpu.barrier barrier_id(%barrier3A_198)
    %mul3A_199 = arith.constant 640 : i32
    %mul3A_200 = arith.muli %arg1, %mul3A_199 : i32
    %add3A_201 = arith.constant 0 : i32
    %add3A_202 = arith.addi %mul3A_200, %add3A_201 : i32
    "tpu.region"() ({
      %run_scoped3A_223 = tpu.sem_alloc : memref<!tpu.dma_semaphore, #tpu.memory_space<semaphore_mem>>
      %dma_start3A_224 = arith.constant 0 : i32
      %dma_start3A_225 = tpu.memref_slice %arg15[%add3A_202, %dma_start3A_224] : memref<10240x48xf32, #tpu.memory_space<vmem_shared>> -> memref<320x48xf32, #tpu.memory_space<vmem_shared>>
      %dma_start3A_226 = arith.constant 0 : i32
      %dma_start3A_227 = tpu.memref_slice %arg15[%add3A_202, %dma_start3A_226] : memref<10240x48xf32, #tpu.memory_space<vmem_shared>> -> memref<320x48xf32, #tpu.memory_space<vmem_shared>>
      tpu.enqueue_dma source(%dma_start3A_227 : memref<320x48xf32, #tpu.memory_space<vmem_shared>>) target(%arg10 : memref<320x48xf32, #tpu.memory_space<vmem>>) target_semaphore(%run_scoped3A_223 : memref<!tpu.dma_semaphore, #tpu.memory_space<semaphore_mem>>)
      %dma_wait3A_228 = arith.constant 0 : i32
      %dma_wait3A_229 = tpu.memref_slice %arg15[%add3A_202, %dma_wait3A_228] : memref<10240x48xf32, #tpu.memory_space<vmem_shared>> -> memref<320x48xf32, #tpu.memory_space<vmem_shared>>
      %dma_wait3A_230 = arith.constant 0 : i32
      %dma_wait3A_231 = tpu.memref_slice %arg15[%add3A_202, %dma_wait3A_230] : memref<10240x48xf32, #tpu.memory_space<vmem_shared>> -> memref<320x48xf32, #tpu.memory_space<vmem_shared>>
      tpu.wait_dma2 semaphore(%run_scoped3A_223 : memref<!tpu.dma_semaphore, #tpu.memory_space<semaphore_mem>>) src(%dma_wait3A_231 : memref<320x48xf32, #tpu.memory_space<vmem_shared>>) dst(%arg10 : memref<320x48xf32, #tpu.memory_space<vmem>>)
      tpu.yield
    }) : () -> ()
    %scan3A_203 = arith.constant 0 : i32
    %scan3A_204 = arith.constant 320 : i32
    %scan3A_205 = arith.addi %scan3A_203, %scan3A_204 : i32
    %scan3A_206 = arith.constant 1 : i32
    scf.for %scan3A_223 = %scan3A_203 to %scan3A_205 step %scan3A_206  : i32 {
      %mul3A_224 = arith.constant 1 : i32
      %mul3A_225 = arith.muli %scan3A_223, %mul3A_224 : i32
      %add3A_226 = arith.constant 0 : i32
      %add3A_227 = arith.addi %add3A_226, %mul3A_225 : i32
      %iota3A = tpu.iota {dimensions = array<i32: 0>} : vector<16xi32>
      %mul3A_228 = arith.constant 0 : i32
      %mul3A_229 = vector.broadcast %mul3A_228 : i32 to vector<16xi32>
      %mul3A_230 = arith.muli %iota3A, %mul3A_229 : vector<16xi32>
      %add3A_231 = arith.constant 0 : i32
      %add3A_232 = arith.addi %add3A_231, %add3A_227 : i32
      %mul3A_233 = arith.constant 8 : i32
      %mul3A_234 = arith.muli %add3A_232, %mul3A_233 : i32
      %add3A_235 = vector.broadcast %mul3A_234 : i32 to vector<16xi32>
      %add3A_236 = arith.addi %mul3A_230, %add3A_235 : vector<16xi32>
      %gather3A = tpu.vector_load_idx %arg13[%add3A_236] : memref<5120xf32, #tpu.memory_space<vmem>>[vector<16xi32>], vector<16xf32>,
      %get3A = arith.index_cast %add3A_227 : i32 to index
      %get3A_237 = arith.constant 0 : index
      %get3A_238 = tpu.vector_load %arg10[%get3A, %get3A_237] {strides = array<i32>} : memref<320x48xf32, #tpu.memory_space<vmem>>, vector<16xf32>,
      %mul3A_239 = arith.mulf %get3A_238, %gather3A : vector<16xf32>
      %swap3A = arith.index_cast %add3A_227 : i32 to index
      %swap3A_240 = arith.constant 0 : index
      %swap3A_241 = tpu.vector_load %arg10[%swap3A, %swap3A_240] {strides = array<i32>} : memref<320x48xf32, #tpu.memory_space<vmem>>, vector<16xf32>,
      tpu.vector_store %arg10[%swap3A, %swap3A_240], %mul3A_239 {strides = array<i32>} : memref<320x48xf32, #tpu.memory_space<vmem>>, vector<16xf32>,
      %get3A_242 = arith.index_cast %add3A_227 : i32 to index
      %get3A_243 = arith.constant 16 : index
      %get3A_244 = tpu.vector_load %arg10[%get3A_242, %get3A_243] {strides = array<i32>} : memref<320x48xf32, #tpu.memory_space<vmem>>, vector<16xf32>,
      %mul3A_245 = arith.mulf %get3A_244, %gather3A : vector<16xf32>
      %swap3A_246 = arith.index_cast %add3A_227 : i32 to index
      %swap3A_247 = arith.constant 16 : index
      %swap3A_248 = tpu.vector_load %arg10[%swap3A_246, %swap3A_247] {strides = array<i32>} : memref<320x48xf32, #tpu.memory_space<vmem>>, vector<16xf32>,
      tpu.vector_store %arg10[%swap3A_246, %swap3A_247], %mul3A_245 {strides = array<i32>} : memref<320x48xf32, #tpu.memory_space<vmem>>, vector<16xf32>,
      %get3A_249 = arith.index_cast %add3A_227 : i32 to index
      %get3A_250 = arith.constant 32 : index
      %get3A_251 = tpu.vector_load %arg10[%get3A_249, %get3A_250] {strides = array<i32>} : memref<320x48xf32, #tpu.memory_space<vmem>>, vector<16xf32>,
      %mul3A_252 = arith.mulf %get3A_251, %gather3A : vector<16xf32>
      %swap3A_253 = arith.index_cast %add3A_227 : i32 to index
      %swap3A_254 = arith.constant 32 : index
      %swap3A_255 = tpu.vector_load %arg10[%swap3A_253, %swap3A_254] {strides = array<i32>} : memref<320x48xf32, #tpu.memory_space<vmem>>, vector<16xf32>,
      tpu.vector_store %arg10[%swap3A_253, %swap3A_254], %mul3A_252 {strides = array<i32>} : memref<320x48xf32, #tpu.memory_space<vmem>>, vector<16xf32>,
    }
    %scan3A_207 = arith.constant 320 : i32
    %mul3A_208 = arith.constant 10240 : i32
    %mul3A_209 = arith.muli %arg0, %mul3A_208 : i32
    %add3A_210 = arith.addi %mul3A_209, %add3A_202 : i32
    "tpu.region"() ({
      %run_scoped3A_223 = tpu.sem_alloc : memref<!tpu.dma_semaphore, #tpu.memory_space<semaphore_mem>>
      %dma_start3A_224 = arith.constant 0 : i32
      %dma_start3A_225 = tpu.memref_slice %arg6[%add3A_210, %dma_start3A_224] : memref<20480x48xf32, #tpu.memory_space<hbm>> -> memref<320x48xf32, #tpu.memory_space<hbm>>
      %dma_start3A_226 = arith.constant 0 : i32
      %dma_start3A_227 = tpu.memref_slice %arg6[%add3A_210, %dma_start3A_226] : memref<20480x48xf32, #tpu.memory_space<hbm>> -> memref<320x48xf32, #tpu.memory_space<hbm>>
      tpu.enqueue_dma source(%arg10 : memref<320x48xf32, #tpu.memory_space<vmem>>) target(%dma_start3A_227 : memref<320x48xf32, #tpu.memory_space<hbm>>) target_semaphore(%run_scoped3A_223 : memref<!tpu.dma_semaphore, #tpu.memory_space<semaphore_mem>>)
      %dma_wait3A_228 = arith.constant 0 : i32
      %dma_wait3A_229 = tpu.memref_slice %arg6[%add3A_210, %dma_wait3A_228] : memref<20480x48xf32, #tpu.memory_space<hbm>> -> memref<320x48xf32, #tpu.memory_space<hbm>>
      %dma_wait3A_230 = arith.constant 0 : i32
      %dma_wait3A_231 = tpu.memref_slice %arg6[%add3A_210, %dma_wait3A_230] : memref<20480x48xf32, #tpu.memory_space<hbm>> -> memref<320x48xf32, #tpu.memory_space<hbm>>
      tpu.wait_dma2 semaphore(%run_scoped3A_223 : memref<!tpu.dma_semaphore, #tpu.memory_space<semaphore_mem>>) src(%arg10 : memref<320x48xf32, #tpu.memory_space<vmem>>) dst(%dma_wait3A_231 : memref<320x48xf32, #tpu.memory_space<hbm>>)
      tpu.yield
    }) : () -> ()
    %mul3A_211 = arith.constant 640 : i32
    %mul3A_212 = arith.muli %arg1, %mul3A_211 : i32
    %add3A_213 = arith.constant 320 : i32
    %add3A_214 = arith.addi %mul3A_212, %add3A_213 : i32
    "tpu.region"() ({
      %run_scoped3A_223 = tpu.sem_alloc : memref<!tpu.dma_semaphore, #tpu.memory_space<semaphore_mem>>
      %dma_start3A_224 = arith.constant 0 : i32
      %dma_start3A_225 = tpu.memref_slice %arg15[%add3A_214, %dma_start3A_224] : memref<10240x48xf32, #tpu.memory_space<vmem_shared>> -> memref<320x48xf32, #tpu.memory_space<vmem_shared>>
      %dma_start3A_226 = arith.constant 0 : i32
      %dma_start3A_227 = tpu.memref_slice %arg15[%add3A_214, %dma_start3A_226] : memref<10240x48xf32, #tpu.memory_space<vmem_shared>> -> memref<320x48xf32, #tpu.memory_space<vmem_shared>>
      tpu.enqueue_dma source(%dma_start3A_227 : memref<320x48xf32, #tpu.memory_space<vmem_shared>>) target(%arg10 : memref<320x48xf32, #tpu.memory_space<vmem>>) target_semaphore(%run_scoped3A_223 : memref<!tpu.dma_semaphore, #tpu.memory_space<semaphore_mem>>)
      %dma_wait3A_228 = arith.constant 0 : i32
      %dma_wait3A_229 = tpu.memref_slice %arg15[%add3A_214, %dma_wait3A_228] : memref<10240x48xf32, #tpu.memory_space<vmem_shared>> -> memref<320x48xf32, #tpu.memory_space<vmem_shared>>
      %dma_wait3A_230 = arith.constant 0 : i32
      %dma_wait3A_231 = tpu.memref_slice %arg15[%add3A_214, %dma_wait3A_230] : memref<10240x48xf32, #tpu.memory_space<vmem_shared>> -> memref<320x48xf32, #tpu.memory_space<vmem_shared>>
      tpu.wait_dma2 semaphore(%run_scoped3A_223 : memref<!tpu.dma_semaphore, #tpu.memory_space<semaphore_mem>>) src(%dma_wait3A_231 : memref<320x48xf32, #tpu.memory_space<vmem_shared>>) dst(%arg10 : memref<320x48xf32, #tpu.memory_space<vmem>>)
      tpu.yield
    }) : () -> ()
    %scan3A_215 = arith.constant 0 : i32
    %scan3A_216 = arith.constant 320 : i32
    %scan3A_217 = arith.addi %scan3A_215, %scan3A_216 : i32
    %scan3A_218 = arith.constant 1 : i32
    scf.for %scan3A_223 = %scan3A_215 to %scan3A_217 step %scan3A_218  : i32 {
      %mul3A_224 = arith.constant 1 : i32
      %mul3A_225 = arith.muli %scan3A_223, %mul3A_224 : i32
      %add3A_226 = arith.constant 0 : i32
      %add3A_227 = arith.addi %add3A_226, %mul3A_225 : i32
      %iota3A = tpu.iota {dimensions = array<i32: 0>} : vector<16xi32>
      %mul3A_228 = arith.constant 0 : i32
      %mul3A_229 = vector.broadcast %mul3A_228 : i32 to vector<16xi32>
      %mul3A_230 = arith.muli %iota3A, %mul3A_229 : vector<16xi32>
      %add3A_231 = arith.constant 320 : i32
      %add3A_232 = arith.addi %add3A_231, %add3A_227 : i32
      %mul3A_233 = arith.constant 8 : i32
      %mul3A_234 = arith.muli %add3A_232, %mul3A_233 : i32
      %add3A_235 = vector.broadcast %mul3A_234 : i32 to vector<16xi32>
      %add3A_236 = arith.addi %mul3A_230, %add3A_235 : vector<16xi32>
      %gather3A = tpu.vector_load_idx %arg13[%add3A_236] : memref<5120xf32, #tpu.memory_space<vmem>>[vector<16xi32>], vector<16xf32>,
      %get3A = arith.index_cast %add3A_227 : i32 to index
      %get3A_237 = arith.constant 0 : index
      %get3A_238 = tpu.vector_load %arg10[%get3A, %get3A_237] {strides = array<i32>} : memref<320x48xf32, #tpu.memory_space<vmem>>, vector<16xf32>,
      %mul3A_239 = arith.mulf %get3A_238, %gather3A : vector<16xf32>
      %swap3A = arith.index_cast %add3A_227 : i32 to index
      %swap3A_240 = arith.constant 0 : index
      %swap3A_241 = tpu.vector_load %arg10[%swap3A, %swap3A_240] {strides = array<i32>} : memref<320x48xf32, #tpu.memory_space<vmem>>, vector<16xf32>,
      tpu.vector_store %arg10[%swap3A, %swap3A_240], %mul3A_239 {strides = array<i32>} : memref<320x48xf32, #tpu.memory_space<vmem>>, vector<16xf32>,
      %get3A_242 = arith.index_cast %add3A_227 : i32 to index
      %get3A_243 = arith.constant 16 : index
      %get3A_244 = tpu.vector_load %arg10[%get3A_242, %get3A_243] {strides = array<i32>} : memref<320x48xf32, #tpu.memory_space<vmem>>, vector<16xf32>,
      %mul3A_245 = arith.mulf %get3A_244, %gather3A : vector<16xf32>
      %swap3A_246 = arith.index_cast %add3A_227 : i32 to index
      %swap3A_247 = arith.constant 16 : index
      %swap3A_248 = tpu.vector_load %arg10[%swap3A_246, %swap3A_247] {strides = array<i32>} : memref<320x48xf32, #tpu.memory_space<vmem>>, vector<16xf32>,
      tpu.vector_store %arg10[%swap3A_246, %swap3A_247], %mul3A_245 {strides = array<i32>} : memref<320x48xf32, #tpu.memory_space<vmem>>, vector<16xf32>,
      %get3A_249 = arith.index_cast %add3A_227 : i32 to index
      %get3A_250 = arith.constant 32 : index
      %get3A_251 = tpu.vector_load %arg10[%get3A_249, %get3A_250] {strides = array<i32>} : memref<320x48xf32, #tpu.memory_space<vmem>>, vector<16xf32>,
      %mul3A_252 = arith.mulf %get3A_251, %gather3A : vector<16xf32>
      %swap3A_253 = arith.index_cast %add3A_227 : i32 to index
      %swap3A_254 = arith.constant 32 : index
      %swap3A_255 = tpu.vector_load %arg10[%swap3A_253, %swap3A_254] {strides = array<i32>} : memref<320x48xf32, #tpu.memory_space<vmem>>, vector<16xf32>,
      tpu.vector_store %arg10[%swap3A_253, %swap3A_254], %mul3A_252 {strides = array<i32>} : memref<320x48xf32, #tpu.memory_space<vmem>>, vector<16xf32>,
    }
    %scan3A_219 = arith.constant 320 : i32
    %mul3A_220 = arith.constant 10240 : i32
    %mul3A_221 = arith.muli %arg0, %mul3A_220 : i32
    %add3A_222 = arith.addi %mul3A_221, %add3A_214 : i32
    "tpu.region"() ({
      %run_scoped3A_223 = tpu.sem_alloc : memref<!tpu.dma_semaphore, #tpu.memory_space<semaphore_mem>>
      %dma_start3A_224 = arith.constant 0 : i32
      %dma_start3A_225 = tpu.memref_slice %arg6[%add3A_222, %dma_start3A_224] : memref<20480x48xf32, #tpu.memory_space<hbm>> -> memref<320x48xf32, #tpu.memory_space<hbm>>
      %dma_start3A_226 = arith.constant 0 : i32
      %dma_start3A_227 = tpu.memref_slice %arg6[%add3A_222, %dma_start3A_226] : memref<20480x48xf32, #tpu.memory_space<hbm>> -> memref<320x48xf32, #tpu.memory_space<hbm>>
      tpu.enqueue_dma source(%arg10 : memref<320x48xf32, #tpu.memory_space<vmem>>) target(%dma_start3A_227 : memref<320x48xf32, #tpu.memory_space<hbm>>) target_semaphore(%run_scoped3A_223 : memref<!tpu.dma_semaphore, #tpu.memory_space<semaphore_mem>>)
      %dma_wait3A_228 = arith.constant 0 : i32
      %dma_wait3A_229 = tpu.memref_slice %arg6[%add3A_222, %dma_wait3A_228] : memref<20480x48xf32, #tpu.memory_space<hbm>> -> memref<320x48xf32, #tpu.memory_space<hbm>>
      %dma_wait3A_230 = arith.constant 0 : i32
      %dma_wait3A_231 = tpu.memref_slice %arg6[%add3A_222, %dma_wait3A_230] : memref<20480x48xf32, #tpu.memory_space<hbm>> -> memref<320x48xf32, #tpu.memory_space<hbm>>
      tpu.wait_dma2 semaphore(%run_scoped3A_223 : memref<!tpu.dma_semaphore, #tpu.memory_space<semaphore_mem>>) src(%arg10 : memref<320x48xf32, #tpu.memory_space<vmem>>) dst(%dma_wait3A_231 : memref<320x48xf32, #tpu.memory_space<hbm>>)
      tpu.yield
    }) : () -> ()
    return
  }
}

module attributes {stable_mosaic.version = 14 : i64} {
  func.func @_xw_body(%arg0: i32, %arg1: memref<2048x128xf32, #tpu.memory_space<vmem>>, %arg2: memref<128x48xf32, #tpu.memory_space<vmem>>, %arg3: memref<2048x48xf32, #tpu.memory_space<vmem>>) attributes {dimension_semantics = [#tpu.dimension_semantics<arbitrary>], iteration_bounds = array<i64: 5>, scalar_prefetch = 0 : i64, scratch_operands = 0 : i64, tpu.core_type = #tpu.core_type<tc>, window_params = [{transform_indices = @transform_0, window_bounds = array<i64: 2048, 128>}, {pipeline_mode = #tpu.pipeline_mode<synchronous>, transform_indices = @transform_1, window_bounds = array<i64: 128, 48>}, {transform_indices = @transform_2, window_bounds = array<i64: 2048, 48>}]} {
    %get3A = arith.constant 0 : index
    %get3A_0 = arith.constant 0 : index
    %get3A_1 = vector.load %arg1[%get3A, %get3A_0] : memref<2048x128xf32, #tpu.memory_space<vmem>>, vector<2048x128xf32>
    %get3A_2 = arith.constant 0 : index
    %get3A_3 = arith.constant 0 : index
    %get3A_4 = vector.load %arg2[%get3A_2, %get3A_3] : memref<128x48xf32, #tpu.memory_space<vmem>>, vector<128x48xf32>
    %dot_general3A = arith.constant dense<0.000000e+00> : vector<2048x48xf32>
    %dot_general3A_5 = tpu.matmul %get3A_1, %get3A_4, %dot_general3A {dimension_numbers = #tpu.dot_dimension_numbers<[1], [0], [0], [1], [0, 0, 1, 1], [], []>, transpose_lhs_hint = false} : vector<2048x128xf32>, vector<128x48xf32>, vector<2048x48xf32> -> vector<2048x48xf32>
    %swap3A = arith.constant 0 : index
    %swap3A_6 = arith.constant 0 : index
    %swap3A_7 = vector.load %arg3[%swap3A, %swap3A_6] : memref<2048x48xf32, #tpu.memory_space<vmem>>, vector<2048x48xf32>
    tpu.vector_store %arg3[%swap3A, %swap3A_6], %dot_general3A_5 {strides = array<i32>} : memref<2048x48xf32, #tpu.memory_space<vmem>>, vector<2048x48xf32>,
    return
  }
  func.func @transform_0(%arg0: i32) -> (i32, i32) {
    %c0_i32 = arith.constant 0 : i32
    %c0_i32_0 = arith.constant 0 : i32
    return %arg0, %c0_i32 : i32, i32
  }
  func.func @transform_1(%arg0: i32) -> (i32, i32) {
    %c0_i32 = arith.constant 0 : i32
    %c0_i32_0 = arith.constant 0 : i32
    %c0_i32_1 = arith.constant 0 : i32
    return %c0_i32, %c0_i32_0 : i32, i32
  }
  func.func @transform_2(%arg0: i32) -> (i32, i32) {
    %c0_i32 = arith.constant 0 : i32
    %c0_i32_0 = arith.constant 0 : i32
    return %arg0, %c0_i32 : i32, i32
  }
}

module attributes {stable_mosaic.version = 14 : i64} {
  func.func @_fin_body(%arg0: i32, %arg1: memref<1x2000x48xf32, #tpu.memory_space<vmem>>, %arg2: memref<1x2000x48xf32, #tpu.memory_space<vmem>>, %arg3: memref<1x48xf32, #tpu.memory_space<vmem>>, %arg4: memref<2000x41xf32, #tpu.memory_space<vmem>>, %arg5: memref<2000x41xf32, #tpu.memory_space<vmem>>) attributes {dimension_semantics = [#tpu.dimension_semantics<arbitrary>], iteration_bounds = array<i64: 5>, scalar_prefetch = 0 : i64, scratch_operands = 0 : i64, tpu.core_type = #tpu.core_type<tc>, window_params = [{transform_indices = @transform_0, window_bounds = array<i64: 1, 2000, 48>}, {transform_indices = @transform_1, window_bounds = array<i64: 1, 2000, 48>}, {pipeline_mode = #tpu.pipeline_mode<synchronous>, transform_indices = @transform_2, window_bounds = array<i64: 1, 48>}, {transform_indices = @transform_3, window_bounds = array<i64: 2000, 41>}, {transform_indices = @transform_4, window_bounds = array<i64: 2000, 41>}]} {
    %get3A = arith.constant 0 : index
    %get3A_0 = arith.constant 0 : index
    %get3A_1 = arith.constant 0 : index
    %get3A_2 = vector.load %arg1[%get3A, %get3A_0, %get3A_1] : memref<1x2000x48xf32, #tpu.memory_space<vmem>>, vector<1x2000x48xf32>
    %get3A_3 = vector.shape_cast %get3A_2 : vector<1x2000x48xf32> to vector<2000x48xf32>
    %get3A_4 = arith.constant 0 : index
    %get3A_5 = arith.constant 0 : index
    %get3A_6 = arith.constant 0 : index
    %get3A_7 = vector.load %arg2[%get3A_4, %get3A_5, %get3A_6] : memref<1x2000x48xf32, #tpu.memory_space<vmem>>, vector<1x2000x48xf32>
    %get3A_8 = vector.shape_cast %get3A_7 : vector<1x2000x48xf32> to vector<2000x48xf32>
    %add3A = arith.addf %get3A_3, %get3A_8 : vector<2000x48xf32>
    %get3A_9 = arith.constant 0 : index
    %get3A_10 = arith.constant 0 : index
    %get3A_11 = vector.load %arg3[%get3A_9, %get3A_10] : memref<1x48xf32, #tpu.memory_space<vmem>>, vector<1x48xf32>
    %add3A_12 = vector.broadcast %get3A_11 : vector<1x48xf32> to vector<2000x48xf32>
    %add3A_13 = arith.addf %add3A, %add3A_12 : vector<2000x48xf32>
    %iota3A = tpu.iota {dimensions = array<i32: 1>} : vector<2000x48xi32>
    %lt3A = arith.constant 41 : i32
    %lt3A_14 = vector.broadcast %lt3A : i32 to vector<2000x48xi32>
    %lt3A_15 = arith.cmpi slt, %iota3A, %lt3A_14 : vector<2000x48xi32>
    %jit3A = arith.constant -1.000000e+30 : f32
    %broadcast_in_dim3A = vector.broadcast %jit3A : f32 to vector<2000x48xf32>
    %select_n3A = arith.select %lt3A_15, %add3A_13, %broadcast_in_dim3A : vector<2000x48xi1>, vector<2000x48xf32>
    %reduce_max3A = arith.constant dense<0xFF800000> : vector<2000xf32>
    %reduce_max3A_16 = vector.multi_reduction <maximumf>, %select_n3A, %reduce_max3A [1] : vector<2000x48xf32> to vector<2000xf32>
    %broadcast_in_dim3A_17 = vector.shape_cast %reduce_max3A_16 : vector<2000xf32> to vector<2000x1xf32>
    %sub3A = vector.broadcast %broadcast_in_dim3A_17 : vector<2000x1xf32> to vector<2000x48xf32>
    %sub3A_18 = arith.subf %add3A_13, %sub3A : vector<2000x48xf32>
    %exp3A = math.exp %sub3A_18 : vector<2000x48xf32>
    %jit3A_19 = arith.constant 0.000000e+00 : f32
    %broadcast_in_dim3A_20 = vector.broadcast %jit3A_19 : f32 to vector<2000x48xf32>
    %select_n3A_21 = arith.select %lt3A_15, %exp3A, %broadcast_in_dim3A_20 : vector<2000x48xi1>, vector<2000x48xf32>
    %reduce_sum3A = arith.constant dense<0.000000e+00> : vector<2000xf32>
    %reduce_sum3A_22 = vector.multi_reduction <add>, %select_n3A_21, %reduce_sum3A [1] : vector<2000x48xf32> to vector<2000xf32>
    %broadcast_in_dim3A_23 = vector.shape_cast %reduce_sum3A_22 : vector<2000xf32> to vector<2000x1xf32>
    %log3A = math.log %broadcast_in_dim3A_23 : vector<2000x1xf32>
    %add3A_24 = arith.addf %broadcast_in_dim3A_17, %log3A : vector<2000x1xf32>
    %sub3A_25 = vector.broadcast %add3A_24 : vector<2000x1xf32> to vector<2000x48xf32>
    %sub3A_26 = arith.subf %add3A_13, %sub3A_25 : vector<2000x48xf32>
    %slice3A = vector.extract_strided_slice %add3A_13 {offsets = [0, 0], sizes = [2000, 41], strides = [1, 1]} : vector<2000x48xf32> to vector<2000x41xf32>
    %swap3A = arith.constant 0 : index
    %swap3A_27 = arith.constant 0 : index
    %swap3A_28 = vector.load %arg4[%swap3A, %swap3A_27] : memref<2000x41xf32, #tpu.memory_space<vmem>>, vector<2000x41xf32>
    tpu.vector_store %arg4[%swap3A, %swap3A_27], %slice3A {strides = array<i32>} : memref<2000x41xf32, #tpu.memory_space<vmem>>, vector<2000x41xf32>,
    %slice3A_29 = vector.extract_strided_slice %sub3A_26 {offsets = [0, 0], sizes = [2000, 41], strides = [1, 1]} : vector<2000x48xf32> to vector<2000x41xf32>
    %swap3A_30 = arith.constant 0 : index
    %swap3A_31 = arith.constant 0 : index
    %swap3A_32 = vector.load %arg5[%swap3A_30, %swap3A_31] : memref<2000x41xf32, #tpu.memory_space<vmem>>, vector<2000x41xf32>
    tpu.vector_store %arg5[%swap3A_30, %swap3A_31], %slice3A_29 {strides = array<i32>} : memref<2000x41xf32, #tpu.memory_space<vmem>>, vector<2000x41xf32>,
    return
  }
  func.func @transform_0(%arg0: i32) -> (i32, i32, i32) {
    %c0_i32 = arith.constant 0 : i32
    %c0_i32_0 = arith.constant 0 : i32
    %c0_i32_1 = arith.constant 0 : i32
    return %c0_i32, %arg0, %c0_i32_0 : i32, i32, i32
  }
  func.func @transform_1(%arg0: i32) -> (i32, i32, i32) {
    %c1_i32 = arith.constant 1 : i32
    %c0_i32 = arith.constant 0 : i32
    %c0_i32_0 = arith.constant 0 : i32
    return %c1_i32, %arg0, %c0_i32 : i32, i32, i32
  }
  func.func @transform_2(%arg0: i32) -> (i32, i32) {
    %c0_i32 = arith.constant 0 : i32
    %c0_i32_0 = arith.constant 0 : i32
    %c0_i32_1 = arith.constant 0 : i32
    return %c0_i32, %c0_i32_0 : i32, i32
  }
  func.func @transform_3(%arg0: i32) -> (i32, i32) {
    %c0_i32 = arith.constant 0 : i32
    %c0_i32_0 = arith.constant 0 : i32
    return %arg0, %c0_i32 : i32, i32
  }
  func.func @transform_4(%arg0: i32) -> (i32, i32) {
    %c0_i32 = arith.constant 0 : i32
    %c0_i32_0 = arith.constant 0 : i32
    return %arg0, %c0_i32 : i32, i32
  }
}

</mosaic_0001>

<sc_bundles>
// kernel: kernel.6.cloned.1.call-start
scs
__scs_entry_jumppad:
0x0: {  	(pc) =	sbr.rel $0x88, $3  }
0x1: {  	(tag) =	ssettag $0x0;
	lr =	simm.s32 $0x1  }
0x2: {  	[smem:$0x3F9D] =	sst lr;
	_ =	strace $0xD0000000  }
0x3: {  	_ = 	snop  }
0x4: {  	_ = 	snop  }
0x5: {  	_ = 	snop  }
0x6: {  	_ = 	snop  }
0x7: {  	_ = 	snop  }
__scs_overlays_trampoline_lowered:
0x8: {  	[smem:$0x3FAC] =	sst s0  }
0x9: {  	[smem:$0x3FAD] =	sst s1  }
0xa: {  	[smem:$0x3FAE] =	sst s2  }
0xb: {  	[smem:$0x3FAF] =	sst s3  }
0xc: {  	[smem:$0x3FB0] =	sst s4  }
0xd: {  	[smem:$0x3FB1] =	sst s5  }
0xe: {  	[smem:$0x3FB2] =	sst s6  }
0xf: {  	[smem:$0x3FB3] =	sst s7  }
0x10: {  	[smem:$0x3FB4] =	sst s8  }
0x11: {  	[smem:$0x3FB5] =	sst s9;
	s0 =	simm.s32 @!p0 $0x0  }
0x12: {  	s1 =	sld [smem:$0x3F9B];
	s0 =	simm.s32 @p0 $0x1  }
0x13: {  	[smem:$0x3FB6] =	sst s0;
	s0 =	simm.s32 @!p1 $0x0  }
0x14: {  	s2 =	sld [smem:$0x3F9A];
	s0 =	simm.s32 @p1 $0x1  }
0x15: {  	[smem:$0x3FB7] =	sst s0;
	s0 =	simm.s32 @!p2 $0x0  }
0x16: {  	s3 =	sld [smem:$0x3FDB];
	s0 =	simm.s32 @p2 $0x1  }
0x17: {  	s4 =	simm.s32 $0x1BF5;
	[smem:$0x3FB9] =	sst s0  }
0x18: {  	s0 =	sld [smem:$0x3F9C];
	_ =	swait.ge [sflag:s4], $0x0  }
0x19: {  	s7 =	sld [smem:$0x3F9D]  }
0x1a: {  	s8 =	sadd.s32 $0xFFFFE003, lr  }
0x1b: {  	s9 =	sadd.s32 $0xFFFFFEF7, lr;
	s5 =	simm.s32 $0xFFFFFFFF;
	p2 =	slt.u32 s8, $0xFFFFF086  }
0x1c: {  	p1 =	slt.u32 s9, $0xF7A;
	s5 =	simm.s32 @!p2 $0x0  }
0x1d: {  	s5 =	simm.s32 @p1 $0x1;
	p0 =	seq.s32 s7, s2  }
0x1e: {  	s7 =	smul.u32 @!p0 $0xF7A, s2;
	p2 =	seq.s32 @!p0 s5, $0x0  }
0x1f: {  	s9 =	smul.u32 $0xF7A, s1;
	s8 =	simm.s32 @!p0 $0x1BF5;
	p2 =	por !p2, p0  }
0x20: {  	[sflag:s8] =	ssyncset.s32 @!p0 $0xFFFFF086;
	s6 =	sadd.s32 @!p0 s3, s7;
	s7 =	simm.s32 @!p0 $0x108  }
0x21: {  	s3 =	sadd.s32 s3, s9;
	s6 =	sadd.s32 @!p0 $0x88, s6;
	s7 =	simm.s32 @p2 $0x1082  }
0x22: {  	[simem:s7], [sflag:s8] =	dma.local @!p0 [hbm:s6], $0xF7A  }
0x23: {  	s9 =	sor.u32 $0xD0000000, s2;
	s6 =	simm.s32 $0x108;
	_ =	swait.ge @!p0 [sflag:s8], $0x0  }
0x24: {  	s3 =	sadd.s32 $0x88, s3;
	s6 =	simm.s32 @!p1 $0x1082;
	[sflag:s4] =	ssyncset.s32 $0xFFFFF086  }
0x25: {  	[simem:s6], [sflag:s4] =	dma.local [hbm:s3], $0xF7A  }
0x26: {  	[smem:$0x3F9D] =	sst s1;
	(tag) =	ssettag s2;
	_ =	strace s9  }
0x27: {  	s1 =	sld [smem:$0x3FAD]  }
0x28: {  	s2 =	sld [smem:$0x3FAE]  }
0x29: {  	s4 =	sld [smem:$0x3FB0]  }
0x2a: {  	p0 =	seq.s32 s5, $0x0;
	s5 =	sld [smem:$0x3FB1]  }
0x2b: {  	s6 =	sld [smem:$0x3FB2]  }
0x2c: {  	s7 =	sld [smem:$0x3FB3]  }
0x2d: {  	s3 =	simm.s32 $0x108;
	s8 =	sld [smem:$0x3FB4]  }
0x2e: {  	s3 =	simm.s32 @!p0 $0x1082;
	s9 =	sld [smem:$0x3FB5]  }
0x2f: {  	lr =	sadd.s32 s0, s3;
	s0 =	sld [smem:$0x3FAC]  }
0x30: {  	s3 =	sld [smem:$0x3FAF]  }
0x31: {  	[smem:$0x3FB8] =	sst s10  }
0x32: {  	s10 =	sld [smem:$0x3FB6];
	_ =	sdelay $0x3  }
0x33: {  	p0 =	seq.s32 s10, $0x1;
	s10 =	sld [smem:$0x3FB8];
	_ =	sdelay $0x3  }
0x34: {  	[smem:$0x3FB8] =	sst s10  }
0x35: {  	s10 =	sld [smem:$0x3FB7];
	_ =	sdelay $0x3  }
0x36: {  	p1 =	seq.s32 s10, $0x1;
	s10 =	sld [smem:$0x3FB8];
	_ =	sdelay $0x3  }
0x37: {  	[smem:$0x3FB8] =	sst s10  }
0x38: {  	s10 =	sld [smem:$0x3FB9]  }
0x39: {  	_ = 	snop;
	(pc) =	sbr.ind lr, $3  }
0x3a: {  	_ = 	snop  }
0x3b: {  	_ = 	snop  }
0x3c: {  	p2 =	seq.s32 s10, $0x1;
	s10 =	sld [smem:$0x3FB8]  }
0x3d: {  	_ =	shalt  }
0x3e: {  	_ =	shalt  }
0x3f: {  	_ =	shalt  }
0x40: {  	_ =	shalt  }
0x41: {  	_ =	shalt  }
0x42: {  	_ =	shalt  }
0x43: {  	_ =	shalt  }
0x44: {  	_ =	shalt  }
0x45: {  	_ =	shalt  }
0x46: {  	_ =	shalt  }
0x47: {  	_ =	shalt  }
0x48: {  	_ =	shalt  }
0x49: {  	_ =	shalt  }
0x4a: {  	_ =	shalt  }
0x4b: {  	_ =	shalt  }
0x4c: {  	_ =	shalt  }
0x4d: {  	_ =	shalt  }
0x4e: {  	_ =	shalt  }
0x4f: {  	_ =	shalt  }
0x50: {  	_ =	shalt  }
0x51: {  	_ =	shalt  }
0x52: {  	_ =	shalt  }
0x53: {  	_ =	shalt  }
0x54: {  	_ =	shalt  }
0x55: {  	_ =	shalt  }
0x56: {  	_ =	shalt  }
0x57: {  	_ =	shalt  }
0x58: {  	_ =	shalt  }
0x59: {  	_ =	shalt  }
0x5a: {  	_ =	shalt  }
0x5b: {  	_ =	shalt  }
0x5c: {  	_ =	shalt  }
0x5d: {  	_ =	shalt  }
0x5e: {  	_ =	shalt  }
0x5f: {  	_ =	shalt  }
0x60: {  	_ =	shalt  }
0x61: {  	_ =	shalt  }
0x62: {  	_ =	shalt  }
0x63: {  	_ =	shalt  }
0x64: {  	_ =	shalt  }
0x65: {  	_ =	shalt  }
0x66: {  	_ =	shalt  }
0x67: {  	_ =	shalt  }
0x68: {  	_ =	shalt  }
0x69: {  	_ =	shalt  }
0x6a: {  	_ =	shalt  }
0x6b: {  	_ =	shalt  }
0x6c: {  	_ =	shalt  }
0x6d: {  	_ =	shalt  }
0x6e: {  	_ =	shalt  }
0x6f: {  	_ =	shalt  }
0x70: {  	_ =	shalt  }
0x71: {  	_ =	shalt  }
0x72: {  	_ =	shalt  }
0x73: {  	_ =	shalt  }
0x74: {  	_ =	shalt  }
0x75: {  	_ =	shalt  }
0x76: {  	_ =	shalt  }
0x77: {  	_ =	shalt  }
0x78: {  	_ =	shalt  }
0x79: {  	_ =	shalt  }
0x7a: {  	_ =	shalt  }
0x7b: {  	_ =	shalt  }
0x7c: {  	_ =	shalt  }
0x7d: {  	_ =	shalt  }
0x7e: {  	_ =	shalt  }
0x7f: {  	_ =	shalt  }
0x80: {  	_ =	shalt  }
0x81: {  	_ =	shalt  }
0x82: {  	_ =	shalt  }
0x83: {  	_ =	shalt  }
0x84: {  	_ =	shalt  }
0x85: {  	_ =	shalt  }
0x86: {  	_ =	shalt  }
0x87: {  	_ =	shalt  }
.Lfunc_end0:
.L_simem_size_0:
called_computation_lowered:
.L_overlay_start_0:
0x88: {  	s2 =	sld [smem:$0x3FD9]  }
0x89: {  	s3 =	sld [smem:$0x3FFE];
	_ =	sdelay $0x1  }
0x8a: {  	s1 =	srdreg.scid  }
0x8b: {  	s0 =	sand.u32 $0x1, s1  }
0x8c: {  	s14 =	sshll.u32 s0, $0xA;
	s2 =	sadd.s32 s3, s2  }
0x8d: {  	s2 =	sadd.s32 s2, s14  }
0x8e: {  	[smem:$0x3FC4] =	sst s2  }
0x8f: {  	_ = 	snop  }
0x90: {  	s2 =	sld [smem:$0x3FD0];
	_ =	sdelay $0x2  }
0x91: {  	s15 =	simm.s32 $0xA;
	s4 =	simm.s32 $0x10  }
0x92: {  	[smem:s4], [sflag:s15] =	dma.local [hbm:s2], $0x1  }
0x93: {  	_ =	swait.eq [sflag:s15], $0x1  }
0x94: {  	[sflag:s15] =	ssyncset.done $0x0  }
0x95: {  	s16 =	sld [smem:$0x10];
	[sflag:s15] =	ssyncadd.s32 $0xFFFFFFFF  }
0x96: {  	s17 =	sld [smem:$0x11];
	(tm) =	ssettm $0x1  }
0x97: {  	s18 =	sld [smem:$0x3FFB];
	_ =	sdelay $0x3  }
0x98: {  	_ =	strace s18  }
0x99: {  	s4 =	sld [smem:$0x3FFC];
	_ =	sdelay $0x3  }
0x9a: {  	_ =	strace s4  }
0x9b: {  	s4 =	sld [smem:$0x3FFD];
	_ =	sdelay $0x3  }
0x9c: {  	_ =	strace s4  }
0x9d: {  	_ =	strace $0x8FFFFFFF  }
0x9e: {  	s19 =	sld [smem:$0x3FDB];
	_ =	sdelay $0x1  }
0x9f: {  	s5 =	simm.s32 $_scs_section_size  }
0xa0: {  	s6 =	simm.s32 $_size__tile_overlayer_lowered;
	s7 =	simm.s32 $_tile_overlayer_lowered  }
0xa1: {  	s22 =	simm.s32 $0x1BFF;
	s21 =	sshll.u32 s7, $0x1;
	s4 =	sadd.s32 s5, s19  }
0xa2: {  	s8 =	simm.s32 $0x0;
	s20 =	sshll.u32 s6, $0x1;
	s6 =	sadd.s32 s21, s4  }
0xa3: {  	[timem:s8], [sflag:s22] =	dma.local [hbm:s6], s20  }
0xa4: {  	_ =	swait.ge [sflag:s22], s20  }
0xa5: {  	s5 =	ssub.s32 $0x0, s20;
	[sflag:s22] =	ssyncset.done $0x0  }
0xa6: {  	[sflag:s22] =	ssyncadd.s32 s5;
	_ =	sdelay $0x1  }
0xa7: {  	s23 =	simm.s32 $0x1B8B  }
0xa8: {  	_ =	swait.ge [sflag:s23], $0x1  }
0xa9: {  	[sflag:s23] =	ssyncset.done $0x0  }
0xaa: {  	s25 =	simm.s32 $0x1B8E;
	s24 =	sld [smem:$0x3FFE];
	[sflag:s23] =	ssyncadd.s32 $0xFFFFFFFF  }
0xab: {  	s26 =	simm.s32 $execute0_lowered;
	[smem:$0x3FD2] =	sst s25  }
0xac: {  	s6 =	sshll.u32 s26, $0x1;
	_ =	strace $0x80000046;
	[dreg:$0x1] =	wrdreg $0xFFFFFFFF  }
0xad: {  	s28 =	simm.s32 $_size_execute0_lowered;
	s4 =	sadd.s32 s4, s6;
	[dreg:$0x0] =	wrdreg $0x0  }
0xae: {  	s6 =	sshll.u32 s28, $0x1;
	[dreg:$0x2] =	wrdreg s4  }
0xaf: {  	[dreg:$0x3] =	wrdreg s6  }
0xb0: {  	[dreg:$0x4] =	wrdreg $0xC0  }
0xb1: {  	_ =	task [dreg:s8], $0x5FFFF  }
0xb2: {  	[dreg:$0x1] =	wrdreg $0xFFFFFFFF  }
0xb3: {  	[dreg:$0x0] =	wrdreg $0x60  }
0xb4: {  	[dreg:$0x2] =	wrdreg s24  }
0xb5: {  	[dreg:$0x3] =	wrdreg s16  }
0xb6: {  	[dreg:$0x4] =	wrdreg s17  }
0xb7: {  	[dreg:$0x5] =	wrdreg $0x2C000  }
0xb8: {  	[dreg:$0x6] =	wrdreg $0x9  }
0xb9: {  	_ =	task.clear_ibuf [dreg:s8], $0x7FFFF;
	_ =	strace $0x90000046  }
0xba: {  	s29 =	simm.s32 $0x9;
	_ =	strace $0x80000048  }
0xbb: {  	_ =	swait.ge [sflag:s29], $0x1  }
0xbc: {  	[sflag:s29] =	ssyncadd.s32 $0xFFFFFFFF  }
0xbd: {  	_ =	strace $0x90000048  }
0xbe: {  	_ =	sfence  }
0xbf: {  	s30 =	sld [smem:$0x0];
	_ =	sdelay $0x2  }
0xc0: {  	s31 =	sshll.u32 s1, $0xD;
	s1 =	sshrl.u32 s1, $0x2  }
0xc1: {  	s3 =	sand.u32 $0x4000, s31;
	s1 =	sadd.s32 s1, s30  }
0xc2: {  	s0 =	sor.u32 s3, s0;
	s1 =	sshll.u32 s1, $0x11  }
0xc3: {  	s0 =	sor.u32 s1, s0  }
0xc4: {  	s0 =	sadd.s32 $0x8F2B, s0  }
0xc5: {  	[sflag:s0] =	ssyncadd.remote.s32 $0x1  }
0xc6: {  	_ =	sfence.sel $0xFFFF  }
0xc7: {  	[dreg:$0x0] =	wrdreg $0xFFFFFFFF;
	(pc) =	sbr.abs _section_cstart, $3  }
0xc8: {  	[dreg:$0x1] =	wrdreg $0xFFFFFFFF  }
0xc9: {  	_ =	task.clear_ibuf [dreg:s8], $0x2FFFF;
	_ =	strace $0x9FFFFFFF  }
0xca: {  	(tm) =	ssettm $0x7FFFFFFF  }
0xcb: {  	_ =	shalt  }
tec
execute0_lowered:
.L_overlay_start_1:
0x0: {  	(tag) =	ssettag $0x1  }
0x1: {  	s6 =	rddreg [dreg:$0x0]  }
0x2: {  	s0 =	rddreg [dreg:$0x1]  }
0x3: {  	s1 =	srdreg.scid;
	s7 =	rddreg [dreg:$0x2]  }
0x4: {  	s3 =	rddreg [dreg:$0x3];
	s2 =	stileid.u32;
	s4 =	simm.s32 $0x0  }
0x5: {  	s14 =	simm.s32 $0x1;
	s8 =	sand.u32 $0x1, s1;
	s1 =	rddreg [dreg:$0x4]  }
0x6: {  	s15 =	simm.s32 $0x0;
	[smem:$0x7FF] =	sst s4;
	s11 =	smul.u32 $0x280, s2  }
0x7: {  	s13 =	smul.u32 $0x5000, s2;
	s31 =	sshll.u32 s2, $0x6;
	s5 =	sshll.u32 s8, $0x4  }
0x8: {  	_ =	strace $0x80000047;
	s10 =	ssub.s32 $0x2, s8;
	s8 =	smul.u32 $0x2800, s8  }
0x9: {  	s5 =	sor.u32 s2, s5;
	s12 =	sshrl.u32 s10, $0x1;
	s29 =	sshrl.u32 s13, $0x2  }
0xa: {  	s7 =	sadd.s32 s7, s11;
	s11 =	sor.u32 $0x1C02, s31;
	s9 =	smul.u32 $0x2800, s5  }
0xb: {  	s13 =	simm.s32 $0x80;
	s5 =	sadd.s32 $0x15200, s6;
	s10 =	ssub.s32 s10, s12  }
0xc: {  	s30 =	sadd.s32 s29, s3;
	s7 =	sadd.s32 s8, s7;
	s9 =	sshrl.u32 s9, $0x3  }
0xd: {  	s8 =	smax.u32 s10, $0x1;
	s10 =	simm.s32 $0x2800;
	s6 =	sadd.s32 s6, s9  }
0xe: {  	s12 =	sshrl.u32 s30, $0x3;
	s9 =	simm.s32 $0x2;
	s6 =	sadd.s32 $0xB200, s6  }
.LBB2_1:
0xf: {  	[tilespmem:s4], [sflag:$0x2] =	stream.linear.gather [hbm4b:s6+s4], $0x2800, $0x38;
	[tilespmem:$0x4000] =	vst v63  }
0x10: {  	_ =	swait.ge [sflag:s9], $0x2800  }
0x11: {  	[sflag:s9] =	ssyncset.done $0x0  }
0x12: {  	[sflag:s9] =	ssyncadd.s32 $0xFFFFD800  }
0x13: {  	[tilespmem:s10], [sflag:$0x2] =	stream.linear.gather [hbm4b:s5+s4], $0x400, $0x38;
	[tilespmem:$0x4000] =	vst v63  }
0x14: {  	_ =	swait.ge [sflag:s9], $0x400  }
0x15: {  	[sflag:s9] =	ssyncset.done $0x0  }
0x16: {  	[sflag:s9] =	ssyncadd.s32 $0xFFFFFC00  }
0x17: {  	[spmem:s12], [sflag:s11] =	dma.local [hbm:s0], $0x280  }
0x18: {  	_ =	swait.ge [sflag:s9], $0x280  }
0x19: {  	[sflag:s9] =	ssyncset.done $0x0  }
0x1a: {  	[sflag:s9] =	ssyncadd.s32 $0xFFFFFD80  }
0x1b: {  	s16 =	simm.s32 $0x0;
	[bflag:$0x0] =	sbarrier.arrive $0xFFFF  }
.LBB2_2:
0x1c: {  	p0 =	sne.s32 s16, $0x9E00  }
.Ltmp0:
0x1d: {  	_ = 	snop;
	(pc) =	sbr.rel @p0 .LBB2_2-.Ltmp0, $3  }
0x1e: {  	_ =	sdelay $0x1  }
0x1f: {  	s17 =	sshra.s32 s16, $0x2;
	s16 =	sadd.s32 $0x200, s16  }
0x20: {  	[spmem:s3] =	stream.indirect.scatter.add.f32 [tilespmem:s10], [sflag:$0x1], $0x8, s17, s13, $0xb8;
	[tilespmem:$0x4000] =	vst v63  }
0x21: {  	_ =	swait.ge [sflag:s14], $0x400  }
0x22: {  	s16 =	simm.s32 $0x4F;
	[sflag:s14] =	ssyncset.done $0x0  }
.LBB2_4:
0x23: {  	p0 =	sne.s32 s16, $0x1;
	s16 =	sadd.s32 $0xFFFFFFFF, s16;
	[sflag:s14] =	ssyncadd.s32 $0xFFFFFC00  }
.Ltmp1:
0x24: {  	(pc) =	sbr.rel @p0 .LBB2_4-.Ltmp1, $3  }
0x25: {  	_ =	sdelay $0x1  }
0x26: {  	_ =	swait.ge [sflag:s14], $0x400  }
0x27: {  	[sflag:s14] =	ssyncset.done $0x0  }
0x28: {  	s15 =	sadd.s32 $0x1, s15  }
0x29: {  	[sflag:s14] =	ssyncadd.s32 $0xFFFFFC00;
	p0 =	sne.s32 s15, s8  }
.Ltmp2:
0x2a: {  	[bflag:$0x0] =	sbarrier.arrive $0xFFFF;
	(pc) =	sbr.rel @p0 .LBB2_1-.Ltmp2, $4  }
0x2b: {  	[hbm:s7], [sflag:s11] =	dma.local [spmem:s12], $0x280  }
0x2c: {  	_ =	swait.ge [sflag:s9], $0x280  }
0x2d: {  	[sflag:s9] =	ssyncset.done $0x0  }
0x2e: {  	[sflag:s9] =	ssyncadd.s32 $0xFFFFFD80  }
0x2f: {  	_ =	sfence.sel $0x180000  }
0x30: {  	[bflag:$0x0] =	sbarrier.arrive $0xFFFF  }
0x31: {  	p0 =	sne.s32 s2, $0x0;
	_ =	strace $0x90000047  }
0x32: {  	s0 =	sadd.s32 @!p0 $0x100000, s1;
	[bflag:$0x2] =	sbarrier.arrive $0xFFFF  }
0x33: {  	[sflag:s0] =	ssyncadd.tile.s32 @!p0 $0x1;
	_ =	shalt  }
.Lfunc_end2:
_tile_overlayer_lowered:
.L_overlay_start_2:
0x34: {  	(tag) =	ssettag $0x2  }
0x35: {  	s0 =	rddreg [dreg:$0x0];
	s2 =	stileid.u32  }
0x36: {  	s1 =	rddreg [dreg:$0x1];
	p0 =	sne.s32 s2, $0x0  }
0x37: {  	s3 =	rddreg [dreg:$0x2];
	[bflag:$0x3] =	sbarrier.arrive $0xFFFF;
	s2 =	simm.s32 @!p0 $0x1C02  }
0x38: {  	[timem:s3], [sflag:s2] =	dma.local @!p0 [hbm:s0], s1  }
0x39: {  	s0 =	simm.s32 @!p0 $0x2  }
0x3a: {  	_ =	swait.ge @!p0 [sflag:s0], s1  }
0x3b: {  	s1 =	ssub.s32 @!p0 $0x0, s1;
	[sflag:s0] =	ssyncset.done @!p0 $0x0  }
0x3c: {  	[sflag:s0] =	ssyncadd.s32 @!p0 s1  }
0x3d: {  	[bflag:$0x3] =	sbarrier.arrive $0xFFFF  }
0x3e: {  	_ =	shalt  }

// kernel: kernel.9.cloned.1.call-start
scs
__scs_entry_jumppad:
0x0: {  	(pc) =	sbr.rel $0x88, $3  }
0x1: {  	(tag) =	ssettag $0x0;
	lr =	simm.s32 $0x1  }
0x2: {  	[smem:$0x3F9D] =	sst lr;
	_ =	strace $0xD0000000  }
0x3: {  	_ = 	snop  }
0x4: {  	_ = 	snop  }
0x5: {  	_ = 	snop  }
0x6: {  	_ = 	snop  }
0x7: {  	_ = 	snop  }
__scs_overlays_trampoline_lowered:
0x8: {  	[smem:$0x3FAC] =	sst s0  }
0x9: {  	[smem:$0x3FAD] =	sst s1  }
0xa: {  	[smem:$0x3FAE] =	sst s2  }
0xb: {  	[smem:$0x3FAF] =	sst s3  }
0xc: {  	[smem:$0x3FB0] =	sst s4  }
0xd: {  	[smem:$0x3FB1] =	sst s5  }
0xe: {  	[smem:$0x3FB2] =	sst s6  }
0xf: {  	[smem:$0x3FB3] =	sst s7  }
0x10: {  	[smem:$0x3FB4] =	sst s8  }
0x11: {  	[smem:$0x3FB5] =	sst s9;
	s0 =	simm.s32 @!p0 $0x0  }
0x12: {  	s1 =	sld [smem:$0x3F9B];
	s0 =	simm.s32 @p0 $0x1  }
0x13: {  	[smem:$0x3FB6] =	sst s0;
	s0 =	simm.s32 @!p1 $0x0  }
0x14: {  	s2 =	sld [smem:$0x3F9A];
	s0 =	simm.s32 @p1 $0x1  }
0x15: {  	[smem:$0x3FB7] =	sst s0;
	s0 =	simm.s32 @!p2 $0x0  }
0x16: {  	s3 =	sld [smem:$0x3FDB];
	s0 =	simm.s32 @p2 $0x1  }
0x17: {  	s4 =	simm.s32 $0x1BF5;
	[smem:$0x3FB9] =	sst s0  }
0x18: {  	s0 =	sld [smem:$0x3F9C];
	_ =	swait.ge [sflag:s4], $0x0  }
0x19: {  	s7 =	sld [smem:$0x3F9D]  }
0x1a: {  	s8 =	sadd.s32 $0xFFFFE003, lr  }
0x1b: {  	s9 =	sadd.s32 $0xFFFFFEF7, lr;
	s5 =	simm.s32 $0xFFFFFFFF;
	p2 =	slt.u32 s8, $0xFFFFF086  }
0x1c: {  	p1 =	slt.u32 s9, $0xF7A;
	s5 =	simm.s32 @!p2 $0x0  }
0x1d: {  	s5 =	simm.s32 @p1 $0x1;
	p0 =	seq.s32 s7, s2  }
0x1e: {  	s7 =	smul.u32 @!p0 $0xF7A, s2;
	p2 =	seq.s32 @!p0 s5, $0x0  }
0x1f: {  	s9 =	smul.u32 $0xF7A, s1;
	s8 =	simm.s32 @!p0 $0x1BF5;
	p2 =	por !p2, p0  }
0x20: {  	[sflag:s8] =	ssyncset.s32 @!p0 $0xFFFFF086;
	s6 =	sadd.s32 @!p0 s3, s7;
	s7 =	simm.s32 @!p0 $0x108  }
0x21: {  	s3 =	sadd.s32 s3, s9;
	s6 =	sadd.s32 @!p0 $0x88, s6;
	s7 =	simm.s32 @p2 $0x1082  }
0x22: {  	[simem:s7], [sflag:s8] =	dma.local @!p0 [hbm:s6], $0xF7A  }
0x23: {  	s9 =	sor.u32 $0xD0000000, s2;
	s6 =	simm.s32 $0x108;
	_ =	swait.ge @!p0 [sflag:s8], $0x0  }
0x24: {  	s3 =	sadd.s32 $0x88, s3;
	s6 =	simm.s32 @!p1 $0x1082;
	[sflag:s4] =	ssyncset.s32 $0xFFFFF086  }
0x25: {  	[simem:s6], [sflag:s4] =	dma.local [hbm:s3], $0xF7A  }
0x26: {  	[smem:$0x3F9D] =	sst s1;
	(tag) =	ssettag s2;
	_ =	strace s9  }
0x27: {  	s1 =	sld [smem:$0x3FAD]  }
0x28: {  	s2 =	sld [smem:$0x3FAE]  }
0x29: {  	s4 =	sld [smem:$0x3FB0]  }
0x2a: {  	p0 =	seq.s32 s5, $0x0;
	s5 =	sld [smem:$0x3FB1]  }
0x2b: {  	s6 =	sld [smem:$0x3FB2]  }
0x2c: {  	s7 =	sld [smem:$0x3FB3]  }
0x2d: {  	s3 =	simm.s32 $0x108;
	s8 =	sld [smem:$0x3FB4]  }
0x2e: {  	s3 =	simm.s32 @!p0 $0x1082;
	s9 =	sld [smem:$0x3FB5]  }
0x2f: {  	lr =	sadd.s32 s0, s3;
	s0 =	sld [smem:$0x3FAC]  }
0x30: {  	s3 =	sld [smem:$0x3FAF]  }
0x31: {  	[smem:$0x3FB8] =	sst s10  }
0x32: {  	s10 =	sld [smem:$0x3FB6];
	_ =	sdelay $0x3  }
0x33: {  	p0 =	seq.s32 s10, $0x1;
	s10 =	sld [smem:$0x3FB8];
	_ =	sdelay $0x3  }
0x34: {  	[smem:$0x3FB8] =	sst s10  }
0x35: {  	s10 =	sld [smem:$0x3FB7];
	_ =	sdelay $0x3  }
0x36: {  	p1 =	seq.s32 s10, $0x1;
	s10 =	sld [smem:$0x3FB8];
	_ =	sdelay $0x3  }
0x37: {  	[smem:$0x3FB8] =	sst s10  }
0x38: {  	s10 =	sld [smem:$0x3FB9]  }
0x39: {  	_ = 	snop;
	(pc) =	sbr.ind lr, $3  }
0x3a: {  	_ = 	snop  }
0x3b: {  	_ = 	snop  }
0x3c: {  	p2 =	seq.s32 s10, $0x1;
	s10 =	sld [smem:$0x3FB8]  }
0x3d: {  	_ =	shalt  }
0x3e: {  	_ =	shalt  }
0x3f: {  	_ =	shalt  }
0x40: {  	_ =	shalt  }
0x41: {  	_ =	shalt  }
0x42: {  	_ =	shalt  }
0x43: {  	_ =	shalt  }
0x44: {  	_ =	shalt  }
0x45: {  	_ =	shalt  }
0x46: {  	_ =	shalt  }
0x47: {  	_ =	shalt  }
0x48: {  	_ =	shalt  }
0x49: {  	_ =	shalt  }
0x4a: {  	_ =	shalt  }
0x4b: {  	_ =	shalt  }
0x4c: {  	_ =	shalt  }
0x4d: {  	_ =	shalt  }
0x4e: {  	_ =	shalt  }
0x4f: {  	_ =	shalt  }
0x50: {  	_ =	shalt  }
0x51: {  	_ =	shalt  }
0x52: {  	_ =	shalt  }
0x53: {  	_ =	shalt  }
0x54: {  	_ =	shalt  }
0x55: {  	_ =	shalt  }
0x56: {  	_ =	shalt  }
0x57: {  	_ =	shalt  }
0x58: {  	_ =	shalt  }
0x59: {  	_ =	shalt  }
0x5a: {  	_ =	shalt  }
0x5b: {  	_ =	shalt  }
0x5c: {  	_ =	shalt  }
0x5d: {  	_ =	shalt  }
0x5e: {  	_ =	shalt  }
0x5f: {  	_ =	shalt  }
0x60: {  	_ =	shalt  }
0x61: {  	_ =	shalt  }
0x62: {  	_ =	shalt  }
0x63: {  	_ =	shalt  }
0x64: {  	_ =	shalt  }
0x65: {  	_ =	shalt  }
0x66: {  	_ =	shalt  }
0x67: {  	_ =	shalt  }
0x68: {  	_ =	shalt  }
0x69: {  	_ =	shalt  }
0x6a: {  	_ =	shalt  }
0x6b: {  	_ =	shalt  }
0x6c: {  	_ =	shalt  }
0x6d: {  	_ =	shalt  }
0x6e: {  	_ =	shalt  }
0x6f: {  	_ =	shalt  }
0x70: {  	_ =	shalt  }
0x71: {  	_ =	shalt  }
0x72: {  	_ =	shalt  }
0x73: {  	_ =	shalt  }
0x74: {  	_ =	shalt  }
0x75: {  	_ =	shalt  }
0x76: {  	_ =	shalt  }
0x77: {  	_ =	shalt  }
0x78: {  	_ =	shalt  }
0x79: {  	_ =	shalt  }
0x7a: {  	_ =	shalt  }
0x7b: {  	_ =	shalt  }
0x7c: {  	_ =	shalt  }
0x7d: {  	_ =	shalt  }
0x7e: {  	_ =	shalt  }
0x7f: {  	_ =	shalt  }
0x80: {  	_ =	shalt  }
0x81: {  	_ =	shalt  }
0x82: {  	_ =	shalt  }
0x83: {  	_ =	shalt  }
0x84: {  	_ =	shalt  }
0x85: {  	_ =	shalt  }
0x86: {  	_ =	shalt  }
0x87: {  	_ =	shalt  }
.Lfunc_end0:
.L_simem_size_0:
called_computation.1_lowered:
.L_overlay_start_0:
0x88: {  	s2 =	sld [smem:$0x3FD9]  }
0x89: {  	s3 =	sld [smem:$0x3FFE];
	_ =	sdelay $0x1  }
0x8a: {  	s1 =	srdreg.scid  }
0x8b: {  	s0 =	sand.u32 $0x1, s1  }
0x8c: {  	s14 =	sshll.u32 s0, $0xA;
	s2 =	sadd.s32 s3, s2  }
0x8d: {  	s2 =	sadd.s32 s2, s14  }
0x8e: {  	[smem:$0x3FC4] =	sst s2  }
0x8f: {  	_ = 	snop  }
0x90: {  	s2 =	sld [smem:$0x3FD0];
	_ =	sdelay $0x2  }
0x91: {  	s15 =	simm.s32 $0xA;
	s4 =	simm.s32 $0x10  }
0x92: {  	[smem:s4], [sflag:s15] =	dma.local [hbm:s2], $0x1  }
0x93: {  	_ =	swait.eq [sflag:s15], $0x1  }
0x94: {  	[sflag:s15] =	ssyncset.done $0x0  }
0x95: {  	s16 =	sld [smem:$0x10];
	[sflag:s15] =	ssyncadd.s32 $0xFFFFFFFF  }
0x96: {  	s17 =	sld [smem:$0x11];
	(tm) =	ssettm $0x1  }
0x97: {  	s18 =	sld [smem:$0x3FFB];
	_ =	sdelay $0x3  }
0x98: {  	_ =	strace s18  }
0x99: {  	s4 =	sld [smem:$0x3FFC];
	_ =	sdelay $0x3  }
0x9a: {  	_ =	strace s4  }
0x9b: {  	s4 =	sld [smem:$0x3FFD];
	_ =	sdelay $0x3  }
0x9c: {  	_ =	strace s4  }
0x9d: {  	_ =	strace $0x8FFFFFFF  }
0x9e: {  	s19 =	sld [smem:$0x3FDB];
	_ =	sdelay $0x1  }
0x9f: {  	s5 =	simm.s32 $_scs_section_size  }
0xa0: {  	s6 =	simm.s32 $_size__tile_overlayer_lowered;
	s7 =	simm.s32 $_tile_overlayer_lowered  }
0xa1: {  	s22 =	simm.s32 $0x1BFF;
	s21 =	sshll.u32 s7, $0x1;
	s4 =	sadd.s32 s5, s19  }
0xa2: {  	s8 =	simm.s32 $0x0;
	s20 =	sshll.u32 s6, $0x1;
	s6 =	sadd.s32 s21, s4  }
0xa3: {  	[timem:s8], [sflag:s22] =	dma.local [hbm:s6], s20  }
0xa4: {  	_ =	swait.ge [sflag:s22], s20  }
0xa5: {  	s5 =	ssub.s32 $0x0, s20;
	[sflag:s22] =	ssyncset.done $0x0  }
0xa6: {  	[sflag:s22] =	ssyncadd.s32 s5;
	_ =	sdelay $0x1  }
0xa7: {  	s23 =	simm.s32 $0x1B8B  }
0xa8: {  	_ =	swait.ge [sflag:s23], $0x1  }
0xa9: {  	[sflag:s23] =	ssyncset.done $0x0  }
0xaa: {  	s25 =	simm.s32 $0x1B8E;
	s24 =	sld [smem:$0x3FFE];
	[sflag:s23] =	ssyncadd.s32 $0xFFFFFFFF  }
0xab: {  	s26 =	simm.s32 $execute0_lowered;
	[smem:$0x3FD2] =	sst s25  }
0xac: {  	s6 =	sshll.u32 s26, $0x1;
	_ =	strace $0x80000049;
	[dreg:$0x1] =	wrdreg $0xFFFFFFFF  }
0xad: {  	s28 =	simm.s32 $_size_execute0_lowered;
	s4 =	sadd.s32 s4, s6;
	[dreg:$0x0] =	wrdreg $0x0  }
0xae: {  	s6 =	sshll.u32 s28, $0x1;
	[dreg:$0x2] =	wrdreg s4  }
0xaf: {  	[dreg:$0x3] =	wrdreg s6  }
0xb0: {  	[dreg:$0x4] =	wrdreg $0xC0  }
0xb1: {  	_ =	task [dreg:s8], $0x5FFFF  }
0xb2: {  	[dreg:$0x1] =	wrdreg $0xFFFFFFFF  }
0xb3: {  	[dreg:$0x0] =	wrdreg $0x60  }
0xb4: {  	[dreg:$0x2] =	wrdreg s24  }
0xb5: {  	[dreg:$0x3] =	wrdreg s17  }
0xb6: {  	[dreg:$0x4] =	wrdreg s16  }
0xb7: {  	[dreg:$0x5] =	wrdreg $0xE4000  }
0xb8: {  	[dreg:$0x6] =	wrdreg $0x15C000  }
0xb9: {  	[dreg:$0x7] =	wrdreg $0x9  }
0xba: {  	_ =	task.clear_ibuf [dreg:s8], $0x8FFFF;
	_ =	strace $0x90000049  }
0xbb: {  	s29 =	simm.s32 $0x9;
	_ =	strace $0x8000004B  }
0xbc: {  	_ =	swait.ge [sflag:s29], $0x1  }
0xbd: {  	[sflag:s29] =	ssyncadd.s32 $0xFFFFFFFF  }
0xbe: {  	_ =	strace $0x9000004B  }
0xbf: {  	_ =	sfence  }
0xc0: {  	s30 =	sld [smem:$0x0];
	_ =	sdelay $0x2  }
0xc1: {  	s31 =	sshll.u32 s1, $0xD;
	s1 =	sshrl.u32 s1, $0x2  }
0xc2: {  	s3 =	sand.u32 $0x4000, s31;
	s1 =	sadd.s32 s1, s30  }
0xc3: {  	s0 =	sor.u32 s3, s0;
	s1 =	sshll.u32 s1, $0x11  }
0xc4: {  	s0 =	sor.u32 s1, s0  }
0xc5: {  	s0 =	sadd.s32 $0x8F2B, s0  }
0xc6: {  	[sflag:s0] =	ssyncadd.remote.s32 $0x1  }
0xc7: {  	_ =	sfence.sel $0xFFFF  }
0xc8: {  	[dreg:$0x0] =	wrdreg $0xFFFFFFFF;
	(pc) =	sbr.abs _section_cstart, $3  }
0xc9: {  	[dreg:$0x1] =	wrdreg $0xFFFFFFFF  }
0xca: {  	_ =	task.clear_ibuf [dreg:s8], $0x2FFFF;
	_ =	strace $0x9FFFFFFF  }
0xcb: {  	(tm) =	ssettm $0x7FFFFFFF  }
tec
execute0_lowered:
.L_overlay_start_1:
0x0: {  	(tag) =	ssettag $0x1  }
0x1: {  	s0 =	rddreg [dreg:$0x0]  }
0x2: {  	s1 =	rddreg [dreg:$0x1]  }
0x3: {  	s18 =	rddreg [dreg:$0x2]  }
0x4: {  	s3 =	rddreg [dreg:$0x3]  }
0x5: {  	s2 =	srdreg.scid;
	s4 =	rddreg [dreg:$0x4]  }
0x6: {  	s11 =	stileid.u32;
	s5 =	simm.s32 $0x0;
	s28 =	simm.s32 $0xD000  }
0x7: {  	s29 =	simm.s32 $0x80;
	s30 =	simm.s32 $0x5000;
	s31 =	simm.s32 $0x6800  }
0x8: {  	s2 =	sand.u32 $0x1, s2;
	[smem:$0x7FF] =	sst s5;
	s9 =	smul.u32 $0x1400, s11  }
0x9: {  	s7 =	sadd.s32 $0x15600, s0;
	s16 =	smul.u32 $0x280, s11;
	s18 =	sadd.s32 $0x780, s18  }
0xa: {  	s6 =	sshll.u32 s2, $0x4;
	_ =	strace $0x8000004A;
	s8 =	ssub.s32 $0x2, s2  }
0xb: {  	s14 =	smul.u32 $0x2800, s2;
	p0 =	sne.s32 s2, $0x0;
	s2 =	simm.s32 $0x4  }
0xc: {  	s6 =	sor.u32 s11, s6;
	s10 =	sshrl.u32 s8, $0x1;
	s9 =	sshrl.u32 s9, $0x3  }
0xd: {  	s11 =	smul.u32 $0x7800, s11;
	s17 =	sadd.s32 s1, s16;
	s13 =	sadd.s32 $0x140, s16  }
0xe: {  	s6 =	smul.u32 $0x2800, s6;
	s8 =	ssub.s32 s8, s10;
	s9 =	sadd.s32 s1, s9  }
0xf: {  	[dreg:$0x8] =	wrdreg s17;
	s22 =	smul.u32 $0x30, s13;
	s1 =	sadd.s32 s1, s13  }
0x10: {  	s23 =	sadd.s32 s16, s14;
	s25 =	sadd.s32 s14, s13;
	s14 =	simm.s32 $0xBC00  }
0x11: {  	s19 =	sadd.s32 $0x2800, s9;
	s20 =	sshrl.u32 s11, $0x3;
	s21 =	sadd.s32 s11, s3  }
0x12: {  	[dreg:$0xc] =	wrdreg s1;
	s1 =	smul.u32 $0x6, s23;
	s9 =	sadd.s32 $0x2940, s9  }
0x13: {  	s26 =	smul.u32 $0x6, s25;
	s25 =	simm.s32 $0x2800;
	[dreg:$0x9] =	wrdreg s19  }
0x14: {  	s6 =	sshrl.u32 s6, $0x3;
	[dreg:$0xb] =	wrdreg s21;
	s24 =	sshrl.u32 s22, $0x3  }
0x15: {  	[dreg:$0xd] =	wrdreg s9;
	s16 =	sadd.s32 s22, s3;
	s17 =	sadd.s32 s22, s4  }
0x16: {  	s21 =	smax.u32 s8, $0x1;
	s22 =	simm.s32 $0x5;
	s6 =	sadd.s32 s6, s0  }
0x17: {  	s0 =	sadd.s32 $0x24600, s0;
	s15 =	sadd.s32 s7, s24;
	s12 =	sadd.s32 $0x1200, s6  }
0x18: {  	s6 =	sadd.s32 $0xB200, s6;
	s19 =	sadd.s32 s0, s1;
	[dreg:$0x6] =	wrdreg s12  }
0x19: {  	s1 =	simm.s32 $0x1;
	[dreg:$0x7] =	wrdreg s6;
	s6 =	sadd.s32 s7, s20  }
0x1a: {  	s12 =	sadd.s32 s11, s4;
	s20 =	sadd.s32 s0, s26;
	s26 =	simm.s32 $0x8000  }
0x1b: {  	s0 =	simm.s32 $0x2;
	[dreg:$0xa] =	wrdreg s6;
	s6 =	simm.s32 $0x0  }
.LBB2_1:
0x1c: {  	s7 =	rddreg [dreg:$0x6]  }
0x1d: {  	[tilespmem:s5], [sflag:$0x5] =	stream.linear.gather [hbm4b:s7+s5], $0x2800, $0x38;
	[tilespmem:$0x1D400] =	vst v63  }
0x1e: {  	_ =	swait.ge [sflag:s22], $0x2800  }
0x1f: {  	[sflag:s22] =	ssyncset.done $0x0  }
0x20: {  	s13 =	rddreg [dreg:$0x7];
	[sflag:s22] =	ssyncadd.s32 $0xFFFFD800  }
0x21: {  	[tilespmem:s25], [sflag:$0x5] =	stream.linear.gather [hbm4b:s13+s5], $0x2800, $0x38;
	[tilespmem:$0x1D400] =	vst v63  }
0x22: {  	_ =	swait.ge [sflag:s22], $0x2800  }
0x23: {  	[sflag:s22] =	ssyncset.done $0x0  }
0x24: {  	s23 =	rddreg [dreg:$0x8];
	[sflag:s22] =	ssyncadd.s32 $0xFFFFD800  }
0x25: {  	[tilespmem:s14], [sflag:$0x5] =	stream.linear.gather [hbm4b:s23+s5], $0xA00, $0x38;
	[tilespmem:$0x1D400] =	vst v63  }
0x26: {  	_ =	swait.ge [sflag:s22], $0xA00  }
0x27: {  	[sflag:s22] =	ssyncset.done $0x0  }
0x28: {  	s8 =	simm.s32 $0xC600;
	s24 =	rddreg [dreg:$0x9];
	[sflag:s22] =	ssyncadd.s32 $0xFFFFF600  }
0x29: {  	[tilespmem:s8], [sflag:$0x5] =	stream.linear.gather [hbm4b:s24+s5], $0xA00, $0x38;
	[tilespmem:$0x1D400] =	vst v63  }
0x2a: {  	_ =	swait.ge [sflag:s22], $0xA00  }
0x2b: {  	[sflag:s22] =	ssyncset.done $0x0  }
0x2c: {  	s25 =	rddreg [dreg:$0xa];
	[sflag:s22] =	ssyncadd.s32 $0xFFFFF600  }
0x2d: {  	[tilespmem:s26], [sflag:$0x5] =	stream.linear.gather [hbm4b:s25+s5], $0x3C00, $0x38;
	[tilespmem:$0x1D400] =	vst v63  }
0x2e: {  	_ =	swait.ge [sflag:s22], $0x3C00  }
0x2f: {  	[sflag:s22] =	ssyncset.done $0x0  }
0x30: {  	s9 =	simm.s32 $0x0;
	[sflag:s22] =	ssyncadd.s32 $0xFFFFC400  }
0x31: {  	v0 =	vld [tilespmem:s9+$0xC600]  }
0x32: {  	v1 =	vld [tilespmem:s9+$0xBC00];
	_ =	sdelay $0x2  }
0x33: {  	s7 =	simm.s32 $0x10  }
0x34: {  	v2 =	vld [tilespmem:s7+$0xC600]  }
0x35: {  	v0 =	vadd.f32 v0, v1;
	v1 =	vld [tilespmem:s7+$0xBC00];
	_ =	sdelay $0x1  }
0x36: {  	v0 =	vadd.f32 $1.000000000e+00, v0;
	_ =	sdelay $0x1  }
0x37: {  	s8 =	simm.s32 $0x20;
	v3 =	vshra.s32 v0, $0x1;
	v4 =	vmul.f32 $5.000000000e-01, v0  }
0x38: {  	v5 =	vld [tilespmem:s8+$0xBC00];
	v0 =	vsub.s32 $0x5F3759DF, v3;
	v1 =	vadd.f32 v2, v1  }
0x39: {  	v3 =	vld [tilespmem:s8+$0xC600];
	v2 =	vmul.f32 v0, v4  }
0x3a: {  	v1 =	vadd.f32 $1.000000000e+00, v1  }
0x3b: {  	v2 =	vmul.f32 v0, v2  }
0x3c: {  	s10 =	simm.s32 $0x30;
	v6 =	vshra.s32 v1, $0x1;
	v13 =	vmul.f32 $5.000000000e-01, v1  }
0x3d: {  	v7 =	vld [tilespmem:s10+$0xBC00];
	v1 =	vsub.f32 $1.500000000e+00, v2;
	v2 =	vsub.s32 $0x5F3759DF, v6  }
0x3e: {  	v6 =	vld [tilespmem:s10+$0xC600];
	v3 =	vadd.f32 v3, v5;
	v5 =	vmul.f32 v2, v13  }
0x3f: {  	v1 =	vmul.f32 v0, v1  }
0x40: {  	v0 =	vadd.f32 $1.000000000e+00, v3;
	v3 =	vmul.f32 v2, v5  }
0x41: {  	v5 =	vmul.f32 v1, v4  }
0x42: {  	s11 =	simm.s32 $0x40;
	v8 =	vshra.s32 v0, $0x1;
	v0 =	vmul.f32 $5.000000000e-01, v0;
	v3 =	vsub.f32 $1.500000000e+00, v3  }
0x43: {  	v9 =	vld [tilespmem:s11+$0xC600];
	v8 =	vsub.s32 $0x5F3759DF, v8;
	v6 =	vadd.f32 v6, v7;
	v5 =	vmul.f32 v5, v1  }
0x44: {  	v10 =	vld [tilespmem:s11+$0xBC00];
	v7 =	vmul.f32 v8, v0  }
0x45: {  	v2 =	vmul.f32 v2, v3;
	v3 =	vsub.f32 $1.500000000e+00, v5;
	v5 =	vadd.f32 $1.000000000e+00, v6  }
0x46: {  	v6 =	vmul.f32 v8, v7  }
0x47: {  	v3 =	vmul.f32 v3, v1;
	v11 =	vshra.s32 v5, $0x1;
	v1 =	vmul.f32 $5.000000000e-01, v5  }
0x48: {  	v7 =	vmul.f32 v2, v13;
	v5 =	vsub.f32 $1.500000000e+00, v6;
	v6 =	vsub.s32 $0x5F3759DF, v11  }
0x49: {  	v9 =	vadd.f32 v9, v10;
	v10 =	vmul.f32 v6, v1  }
0x4a: {  	v7 =	vmul.f32 v7, v2  }
0x4b: {  	s13 =	simm.s32 $0x50;
	v11 =	vmul.f32 v3, v4;
	v10 =	vmul.f32 v6, v10  }
0x4c: {  	v9 =	vadd.f32 $1.000000000e+00, v9;
	v4 =	vmul.f32 v8, v5;
	v8 =	vld [tilespmem:s13+$0xC600]  }
0x4d: {  	v5 =	vsub.f32 $1.500000000e+00, v7;
	v7 =	vmul.f32 v11, v3;
	v11 =	vsub.f32 $1.500000000e+00, v10;
	v10 =	vld [tilespmem:s13+$0xBC00];
	_ =	sdelay $0x1  }
0x4e: {  	v14 =	vshra.s32 v9, $0x1;
	v12 =	vmul.f32 v4, v0;
	v2 =	vmul.f32 v5, v2  }
0x4f: {  	v5 =	vmul.f32 $5.000000000e-01, v9;
	v9 =	vsub.s32 $0x5F3759DF, v14  }
0x50: {  	s23 =	simm.s32 $0x60;
	s24 =	simm.s32 $0x1C0;
	v7 =	vsub.f32 $1.500000000e+00, v7;
	v12 =	vmul.f32 v12, v4;
	v13 =	vmul.f32 v2, v13  }
.LBB2_2:
0x51: {  	s25 =	sshra.s32 s24, $0x2;
	p1 =	sne.s32 s24, $0x27C0;
	s24 =	sadd.s32 $0x40, s24;
	v14 =	vadd.f32 v8, v10;
	v8 =	vld [tilespmem:s23+$0xC600];
	v15 =	vmul.f32 v9, v5;
	v11 =	vmul.f32 v6, v11;
	v16 =	vmovc v5  }
.Ltmp0:
0x52: {  	v6 =	vmovc v9;
	v10 =	vld [tilespmem:s23+$0xBC00];
	v5 =	vsub.f32 $1.500000000e+00, v12;
	v12 =	vmul.f32 v13, v2;
	v13 =	vmul.f32 v7, v3;
	v3 =	vmovc v2;
	(pc) =	sbr.rel @p1 .LBB2_2-.Ltmp0, $4  }
0x53: {  	v9 =	vadd.f32 $1.000000000e+00, v14;
	v14 =	vmul.f32 v6, v15;
	v15 =	vmul.f32 v11, v1  }
0x54: {  	v2 =	vmul.f32 v5, v4;
	v7 =	vsub.f32 $1.500000000e+00, v12;
	[tilespmem:s9+$0xD000] =	vst v13;
	v4 =	vmov v11;
	s9 =	smov.u32 s7;
	s7 =	smov.u32 s8;
	s8 =	smov.u32 s10  }
0x55: {  	s10 =	smov.u32 s11;
	s11 =	smov.u32 s13;
	s13 =	smov.u32 s23;
	v12 =	vshra.s32 v9, $0x1;
	v5 =	vmul.f32 $5.000000000e-01, v9;
	v11 =	vsub.f32 $1.500000000e+00, v14  }
0x56: {  	s23 =	smov.u32 s25;
	v9 =	vsub.s32 $0x5F3759DF, v12;
	v12 =	vmul.f32 v15, v4;
	v13 =	vmul.f32 v2, v0;
	v0 =	vmovc v1;
	v1 =	vmovc v16  }
0x57: {  	v14 =	vld [tilespmem:s23+$0xC600]  }
0x58: {  	v15 =	vld [tilespmem:s23+$0xBC00];
	_ =	sdelay $0x3  }
0x59: {  	v8 =	vadd.f32 v8, v10  }
0x5a: {  	v52 =	vadd.f32 v14, v15  }
0x5b: {  	v8 =	vadd.f32 $1.000000000e+00, v8  }
0x5c: {  	v10 =	vadd.f32 $1.000000000e+00, v52  }
0x5d: {  	v53 =	vmul.f32 v9, v5;
	v54 =	vshra.s32 v8, $0x1;
	v8 =	vmul.f32 $5.000000000e-01, v8  }
0x5e: {  	v15 =	vsub.s32 $0x5F3759DF, v54;
	v16 =	vshra.s32 v10, $0x1;
	v10 =	vmul.f32 $5.000000000e-01, v10  }
0x5f: {  	v17 =	vmul.f32 v15, v8;
	v16 =	vsub.s32 $0x5F3759DF, v16  }
0x60: {  	v14 =	vmul.f32 v9, v53;
	v18 =	vmul.f32 v16, v10  }
0x61: {  	v6 =	vmul.f32 v6, v11;
	v55 =	vmul.f32 v15, v17  }
0x62: {  	v3 =	vmul.f32 v7, v3;
	v7 =	vsub.f32 $1.500000000e+00, v14;
	v56 =	vmul.f32 v16, v18  }
0x63: {  	v12 =	vsub.f32 $1.500000000e+00, v12;
	v13 =	vmul.f32 v13, v2;
	v11 =	vsub.f32 $1.500000000e+00, v55  }
0x64: {  	v57 =	vmul.f32 v6, v1;
	v7 =	vmul.f32 v9, v7;
	v14 =	vsub.f32 $1.500000000e+00, v56  }
0x65: {  	v4 =	vmul.f32 v12, v4;
	v11 =	vmul.f32 v15, v11  }
0x66: {  	v58 =	vmul.f32 v7, v5;
	v14 =	vmul.f32 v16, v14  }
0x67: {  	v9 =	vmul.f32 v57, v6;
	v15 =	vmul.f32 v11, v8  }
0x68: {  	v12 =	vmul.f32 v58, v7;
	v16 =	vmul.f32 v14, v10  }
0x69: {  	v13 =	vsub.f32 $1.500000000e+00, v13;
	v9 =	vsub.f32 $1.500000000e+00, v9;
	v15 =	vmul.f32 v15, v11  }
0x6a: {  	v0 =	vmul.f32 v4, v0;
	v12 =	vsub.f32 $1.500000000e+00, v12;
	v16 =	vmul.f32 v16, v14  }
0x6b: {  	v2 =	vmul.f32 v13, v2;
	v6 =	vmul.f32 v9, v6;
	v59 =	vsub.f32 $1.500000000e+00, v15  }
0x6c: {  	v0 =	vmul.f32 v0, v4;
	v7 =	vmul.f32 v12, v7;
	v60 =	vsub.f32 $1.500000000e+00, v16  }
0x6d: {  	v1 =	vmul.f32 v6, v1;
	v9 =	vmul.f32 v59, v11  }
0x6e: {  	v5 =	vmul.f32 v7, v5;
	v61 =	vmul.f32 v60, v14  }
0x6f: {  	s24 =	simm.s32 $0x0;
	v0 =	vsub.f32 $1.500000000e+00, v0;
	v1 =	vmul.f32 v1, v6;
	v8 =	vmul.f32 v9, v8  }
0x70: {  	v62 =	vmov s24;
	v5 =	vmul.f32 v5, v7;
	v10 =	vmul.f32 v61, v10  }
0x71: {  	v0 =	vmul.f32 v0, v4;
	v1 =	vsub.f32 $1.500000000e+00, v1;
	v4 =	vmul.f32 v8, v9  }
0x72: {  	[tilespmem:s9+$0xD000] =	vst v3;
	v63 =	vshrl.u32 v62, $0x3;
	v3 =	vsub.f32 $1.500000000e+00, v5;
	v5 =	vmul.f32 v10, v61  }
0x73: {  	[tilespmem:s7+$0xD000] =	vst v2;
	v1 =	vmul.f32 v1, v6;
	v2 =	vsub.f32 $1.500000000e+00, v4;
	v4 =	vshll.u32 v63, $0x3  }
0x74: {  	[tilespmem:s8+$0xD000] =	vst v0;
	v0 =	vmul.f32 v3, v7;
	v4 =	vbroadcast v4, $0x0;
	v3 =	vsub.f32 $1.500000000e+00, v5  }
0x75: {  	[tilespmem:s10+$0xD000] =	vst v1;
	v1 =	vmul.f32 v2, v9  }
0x76: {  	[tilespmem:s11+$0xD000] =	vst v0;
	v0 =	vmul.f32 v3, v61  }
0x77: {  	[tilespmem:s13+$0xD000] =	vst v1  }
0x78: {  	s7 =	simm.s32 $0x8020;
	[tilespmem:s23+$0xD000] =	vst v0  }
0x79: {  	v0 =	vld [tilespmem:s7+$0xFFFFFFF0]  }
0x7a: {  	v1 =	vld.idx.msk [tilespmem:v4+s28+$0x0], $0xffff  }
0x7b: {  	s25 =	simm.s32 $0x8;
	v2 =	vld [tilespmem:s7+$0xFFFFFFE0]  }
0x7c: {  	s9 =	simm.s32 $0x10;
	s8 =	simm.s32 $0x8020;
	v4 =	vmov s25;
	v3 =	vld [tilespmem:s7+$0x0]  }
.LBB2_4:
0x7d: {  	p1 =	sne.s32 s9, $0x9F8;
	v4 =	vshrl.u32 v4, $0x3  }
0x7e: {  	v4 =	vshll.u32 v4, $0x3  }
0x7f: {  	v4 =	vbroadcast v4, $0x0  }
0x80: {  	v0 =	vmul.f32 v0, v1;
	v2 =	vmul.f32 v2, v1  }
0x81: {  	v1 =	vmul.f32 v3, v1  }
0x82: {  	[tilespmem:s7+$0xFFFFFFE0] =	vst v2  }
.Ltmp1:
0x83: {  	s7 =	sadd.s32 $0x30, s7;
	[tilespmem:s8+$0xFFFFFFF0] =	vst v0;
	(pc) =	sbr.rel @p1 .LBB2_4-.Ltmp1, $4  }
0x84: {  	v0 =	vld [tilespmem:s7+$0xFFFFFFF0];
	[tilespmem:s8+$0x0] =	vst v1;
	s8 =	smov.u32 s7  }
0x85: {  	v1 =	vld.idx.msk [tilespmem:v4+s28+$0x0], $0xffff  }
0x86: {  	v2 =	vld [tilespmem:s7+$0xFFFFFFE0]  }
0x87: {  	v4 =	vmov s9;
	s9 =	sadd.s32 $0x8, s9;
	v3 =	vld [tilespmem:s7+$0x0]  }
0x88: {  	v4 =	vshrl.u32 v4, $0x3  }
0x89: {  	v4 =	vshll.u32 v4, $0x3  }
0x8a: {  	v4 =	vbroadcast v4, $0x0  }
0x8b: {  	v2 =	vmul.f32 v2, v1  }
0x8c: {  	v0 =	vmul.f32 v0, v1  }
0x8d: {  	v1 =	vmul.f32 v3, v1;
	[tilespmem:s7+$0xFFFFFFE0] =	vst v2  }
0x8e: {  	s11 =	sadd.s32 $0x30, s7;
	[tilespmem:s8+$0xFFFFFFF0] =	vst v0  }
0x8f: {  	v0 =	vld [tilespmem:s11+$0xFFFFFFF0];
	[tilespmem:s8+$0x0] =	vst v1  }
0x90: {  	v1 =	vld.idx.msk [tilespmem:v4+s28+$0x0], $0xffff  }
0x91: {  	v2 =	vld [tilespmem:s11+$0xFFFFFFE0];
	_ =	sdelay $0x1  }
0x92: {  	v3 =	vld [tilespmem:s11+$0x0];
	_ =	sdelay $0x2  }
0x93: {  	v2 =	vmul.f32 v2, v1  }
0x94: {  	v0 =	vmul.f32 v0, v1  }
0x95: {  	v1 =	vmul.f32 v3, v1;
	[tilespmem:s11+$0xFFFFFFE0] =	vst v2  }
0x96: {  	[tilespmem:s11+$0xFFFFFFF0] =	vst v0  }
0x97: {  	s13 =	rddreg [dreg:$0xb];
	[tilespmem:s11+$0x0] =	vst v1  }
0x98: {  	[spmem:s13] =	stream.linear.scatter [tilespmem:s26], [sflag:$0x5], $0x3C00, $0x38;
	[tilespmem:$0x1D400] =	vst v63  }
0x99: {  	_ =	swait.ge [sflag:s22], $0x3C00  }
0x9a: {  	s7 =	stileid.u32;
	[sflag:s22] =	ssyncset.done $0x0  }
0x9b: {  	s7 =	sshll.u32 @p0 s7, $0x6;
	[sflag:s22] =	ssyncadd.s32 $0xFFFFC400  }
0x9c: {  	s7 =	sor.u32 @p0 $0x1C05, s7;
	s8 =	sshrl.u32 @p0 s12, $0x3;
	s9 =	rddreg [dreg:$0x2]  }
0x9d: {  	[spmem:s8], [sflag:s7] =	dma.local @p0 [hbm:s9], $0x780  }
0x9e: {  	s8 =	simm.s32 @p0 $0x5  }
0x9f: {  	_ =	swait.ge @p0 [sflag:s8], $0x780  }
0xa0: {  	[sflag:s8] =	ssyncset.done @p0 $0x0  }
0xa1: {  	[sflag:s8] =	ssyncadd.s32 @p0 $0xFFFFF880;
	s8 =	simm.s32 @!p0 $0x8000  }
0xa2: {  	[spmem:s12] =	stream.linear.scatter @!p0 [tilespmem:s8], [sflag:$0x5], $0x3C00, $0x38;
	[tilespmem:$0x1D400] =	vst v63  }
0xa3: {  	s8 =	simm.s32 @!p0 $0x5  }
0xa4: {  	_ =	swait.ge @!p0 [sflag:s8], $0x3C00  }
0xa5: {  	[sflag:s8] =	ssyncset.done @!p0 $0x0  }
0xa6: {  	s23 =	simm.s32 $0x0;
	s24 =	rddreg [dreg:$0xc];
	[sflag:s8] =	ssyncadd.s32 @!p0 $0xFFFFC400  }
0xa7: {  	[tilespmem:s14], [sflag:$0x5] =	stream.linear.gather [hbm4b:s24+s23], $0xA00, $0x38;
	[tilespmem:$0x1D400] =	vst v63  }
0xa8: {  	_ =	swait.ge [sflag:s22], $0xA00  }
0xa9: {  	[sflag:s22] =	ssyncset.done $0x0  }
0xaa: {  	s10 =	simm.s32 $0xC600;
	s25 =	rddreg [dreg:$0xd];
	[sflag:s22] =	ssyncadd.s32 $0xFFFFF600  }
0xab: {  	[tilespmem:s10], [sflag:$0x5] =	stream.linear.gather [hbm4b:s25+s23], $0xA00, $0x38;
	[tilespmem:$0x1D400] =	vst v63  }
0xac: {  	_ =	swait.ge [sflag:s22], $0xA00  }
0xad: {  	[sflag:s22] =	ssyncset.done $0x0  }
0xae: {  	[sflag:s22] =	ssyncadd.s32 $0xFFFFF600  }
0xaf: {  	[tilespmem:s26], [sflag:$0x5] =	stream.linear.gather [hbm4b:s15+s23], $0x3C00, $0x38;
	[tilespmem:$0x1D400] =	vst v63  }
0xb0: {  	_ =	swait.ge [sflag:s22], $0x3C00  }
0xb1: {  	[sflag:s22] =	ssyncset.done $0x0  }
0xb2: {  	s10 =	simm.s32 $0x0;
	[sflag:s22] =	ssyncadd.s32 $0xFFFFC400  }
0xb3: {  	v0 =	vld [tilespmem:s10+$0xC600]  }
0xb4: {  	v1 =	vld [tilespmem:s10+$0xBC00];
	_ =	sdelay $0x2  }
0xb5: {  	s8 =	simm.s32 $0x10  }
0xb6: {  	v2 =	vld [tilespmem:s8+$0xC600]  }
0xb7: {  	v0 =	vadd.f32 v0, v1;
	v1 =	vld [tilespmem:s8+$0xBC00];
	_ =	sdelay $0x1  }
0xb8: {  	v0 =	vadd.f32 $1.000000000e+00, v0;
	_ =	sdelay $0x1  }
0xb9: {  	s9 =	simm.s32 $0x20;
	v3 =	vshra.s32 v0, $0x1;
	v4 =	vmul.f32 $5.000000000e-01, v0  }
0xba: {  	v5 =	vld [tilespmem:s9+$0xBC00];
	v0 =	vsub.s32 $0x5F3759DF, v3;
	v1 =	vadd.f32 v2, v1  }
0xbb: {  	v3 =	vld [tilespmem:s9+$0xC600];
	v2 =	vmul.f32 v0, v4  }
0xbc: {  	v1 =	vadd.f32 $1.000000000e+00, v1  }
0xbd: {  	v2 =	vmul.f32 v0, v2  }
0xbe: {  	s11 =	simm.s32 $0x30;
	v6 =	vshra.s32 v1, $0x1;
	v13 =	vmul.f32 $5.000000000e-01, v1  }
0xbf: {  	v7 =	vld [tilespmem:s11+$0xBC00];
	v1 =	vsub.f32 $1.500000000e+00, v2;
	v2 =	vsub.s32 $0x5F3759DF, v6  }
0xc0: {  	v6 =	vld [tilespmem:s11+$0xC600];
	v3 =	vadd.f32 v3, v5;
	v5 =	vmul.f32 v2, v13  }
0xc1: {  	v1 =	vmul.f32 v0, v1  }
0xc2: {  	v0 =	vadd.f32 $1.000000000e+00, v3;
	v3 =	vmul.f32 v2, v5  }
0xc3: {  	v5 =	vmul.f32 v1, v4  }
0xc4: {  	s13 =	simm.s32 $0x40;
	v8 =	vshra.s32 v0, $0x1;
	v0 =	vmul.f32 $5.000000000e-01, v0;
	v3 =	vsub.f32 $1.500000000e+00, v3  }
0xc5: {  	v9 =	vld [tilespmem:s13+$0xC600];
	v8 =	vsub.s32 $0x5F3759DF, v8;
	v6 =	vadd.f32 v6, v7;
	v5 =	vmul.f32 v5, v1  }
0xc6: {  	v10 =	vld [tilespmem:s13+$0xBC00];
	v7 =	vmul.f32 v8, v0  }
0xc7: {  	v2 =	vmul.f32 v2, v3;
	v3 =	vsub.f32 $1.500000000e+00, v5;
	v5 =	vadd.f32 $1.000000000e+00, v6  }
0xc8: {  	v6 =	vmul.f32 v8, v7  }
0xc9: {  	v3 =	vmul.f32 v3, v1;
	v11 =	vshra.s32 v5, $0x1;
	v1 =	vmul.f32 $5.000000000e-01, v5  }
0xca: {  	v7 =	vmul.f32 v2, v13;
	v5 =	vsub.f32 $1.500000000e+00, v6;
	v6 =	vsub.s32 $0x5F3759DF, v11  }
0xcb: {  	v9 =	vadd.f32 v9, v10;
	v10 =	vmul.f32 v6, v1  }
0xcc: {  	v7 =	vmul.f32 v7, v2  }
0xcd: {  	s23 =	simm.s32 $0x50;
	v11 =	vmul.f32 v3, v4;
	v10 =	vmul.f32 v6, v10  }
0xce: {  	v9 =	vadd.f32 $1.000000000e+00, v9;
	v4 =	vmul.f32 v8, v5;
	v8 =	vld [tilespmem:s23+$0xC600]  }
0xcf: {  	v5 =	vsub.f32 $1.500000000e+00, v7;
	v7 =	vmul.f32 v11, v3;
	v11 =	vsub.f32 $1.500000000e+00, v10;
	v10 =	vld [tilespmem:s23+$0xBC00];
	_ =	sdelay $0x1  }
0xd0: {  	v14 =	vshra.s32 v9, $0x1;
	v12 =	vmul.f32 v4, v0;
	v2 =	vmul.f32 v5, v2  }
0xd1: {  	v5 =	vmul.f32 $5.000000000e-01, v9;
	v9 =	vsub.s32 $0x5F3759DF, v14  }
0xd2: {  	s24 =	simm.s32 $0x60;
	s25 =	simm.s32 $0x1C0;
	v7 =	vsub.f32 $1.500000000e+00, v7;
	v12 =	vmul.f32 v12, v4;
	v13 =	vmul.f32 v2, v13  }
.LBB2_6:
0xd3: {  	s14 =	sshra.s32 s25, $0x2;
	p1 =	sne.s32 s25, $0x27C0;
	s25 =	sadd.s32 $0x40, s25;
	v14 =	vadd.f32 v8, v10;
	v8 =	vld [tilespmem:s24+$0xC600];
	v15 =	vmul.f32 v9, v5;
	v11 =	vmul.f32 v6, v11;
	v16 =	vmovc v5  }
.Ltmp2:
0xd4: {  	v6 =	vmovc v9;
	v10 =	vld [tilespmem:s24+$0xBC00];
	v5 =	vsub.f32 $1.500000000e+00, v12;
	v12 =	vmul.f32 v13, v2;
	v13 =	vmul.f32 v7, v3;
	v3 =	vmovc v2;
	(pc) =	sbr.rel @p1 .LBB2_6-.Ltmp2, $4  }
0xd5: {  	v9 =	vadd.f32 $1.000000000e+00, v14;
	v14 =	vmul.f32 v6, v15;
	v15 =	vmul.f32 v11, v1  }
0xd6: {  	v2 =	vmul.f32 v5, v4;
	v7 =	vsub.f32 $1.500000000e+00, v12;
	[tilespmem:s10+$0xDA00] =	vst v13;
	v4 =	vmov v11;
	s10 =	smov.u32 s8;
	s8 =	smov.u32 s9;
	s9 =	smov.u32 s11  }
0xd7: {  	s11 =	smov.u32 s13;
	s13 =	smov.u32 s23;
	s23 =	smov.u32 s24;
	v12 =	vshra.s32 v9, $0x1;
	v5 =	vmul.f32 $5.000000000e-01, v9;
	v11 =	vsub.f32 $1.500000000e+00, v14  }
0xd8: {  	s24 =	smov.u32 s14;
	v9 =	vsub.s32 $0x5F3759DF, v12;
	v12 =	vmul.f32 v15, v4;
	v13 =	vmul.f32 v2, v0;
	v0 =	vmovc v1;
	v1 =	vmovc v16  }
0xd9: {  	v14 =	vld [tilespmem:s24+$0xC600]  }
0xda: {  	v15 =	vld [tilespmem:s24+$0xBC00];
	_ =	sdelay $0x3  }
0xdb: {  	v8 =	vadd.f32 v8, v10  }
0xdc: {  	v52 =	vadd.f32 v14, v15  }
0xdd: {  	v8 =	vadd.f32 $1.000000000e+00, v8  }
0xde: {  	v10 =	vadd.f32 $1.000000000e+00, v52  }
0xdf: {  	v53 =	vmul.f32 v9, v5;
	v54 =	vshra.s32 v8, $0x1;
	v8 =	vmul.f32 $5.000000000e-01, v8  }
0xe0: {  	v15 =	vsub.s32 $0x5F3759DF, v54;
	v16 =	vshra.s32 v10, $0x1;
	v10 =	vmul.f32 $5.000000000e-01, v10  }
0xe1: {  	v17 =	vmul.f32 v15, v8;
	v16 =	vsub.s32 $0x5F3759DF, v16  }
0xe2: {  	v14 =	vmul.f32 v9, v53;
	v18 =	vmul.f32 v16, v10  }
0xe3: {  	v6 =	vmul.f32 v6, v11;
	v55 =	vmul.f32 v15, v17  }
0xe4: {  	v3 =	vmul.f32 v7, v3;
	v7 =	vsub.f32 $1.500000000e+00, v14;
	v56 =	vmul.f32 v16, v18  }
0xe5: {  	v12 =	vsub.f32 $1.500000000e+00, v12;
	v13 =	vmul.f32 v13, v2;
	v11 =	vsub.f32 $1.500000000e+00, v55  }
0xe6: {  	v57 =	vmul.f32 v6, v1;
	v7 =	vmul.f32 v9, v7;
	v14 =	vsub.f32 $1.500000000e+00, v56  }
0xe7: {  	v4 =	vmul.f32 v12, v4;
	v11 =	vmul.f32 v15, v11  }
0xe8: {  	v58 =	vmul.f32 v7, v5;
	v14 =	vmul.f32 v16, v14  }
0xe9: {  	v9 =	vmul.f32 v57, v6;
	v15 =	vmul.f32 v11, v8  }
0xea: {  	v12 =	vmul.f32 v58, v7;
	v16 =	vmul.f32 v14, v10  }
0xeb: {  	v13 =	vsub.f32 $1.500000000e+00, v13;
	v9 =	vsub.f32 $1.500000000e+00, v9;
	v15 =	vmul.f32 v15, v11  }
0xec: {  	v0 =	vmul.f32 v4, v0;
	v12 =	vsub.f32 $1.500000000e+00, v12;
	v16 =	vmul.f32 v16, v14  }
0xed: {  	v2 =	vmul.f32 v13, v2;
	v6 =	vmul.f32 v9, v6;
	v59 =	vsub.f32 $1.500000000e+00, v15  }
0xee: {  	v0 =	vmul.f32 v0, v4;
	v7 =	vmul.f32 v12, v7;
	v60 =	vsub.f32 $1.500000000e+00, v16  }
0xef: {  	v1 =	vmul.f32 v6, v1;
	v9 =	vmul.f32 v59, v11  }
0xf0: {  	v5 =	vmul.f32 v7, v5;
	v61 =	vmul.f32 v60, v14  }
0xf1: {  	s14 =	simm.s32 $0xA00;
	v0 =	vsub.f32 $1.500000000e+00, v0;
	v1 =	vmul.f32 v1, v6;
	v8 =	vmul.f32 v9, v8  }
0xf2: {  	v62 =	vmov s14;
	v5 =	vmul.f32 v5, v7;
	v10 =	vmul.f32 v61, v10  }
0xf3: {  	v0 =	vmul.f32 v0, v4;
	v1 =	vsub.f32 $1.500000000e+00, v1;
	v4 =	vmul.f32 v8, v9  }
0xf4: {  	[tilespmem:s10+$0xDA00] =	vst v3;
	v63 =	vshrl.u32 v62, $0x3;
	v3 =	vsub.f32 $1.500000000e+00, v5;
	v5 =	vmul.f32 v10, v61  }
0xf5: {  	[tilespmem:s8+$0xDA00] =	vst v2;
	v1 =	vmul.f32 v1, v6;
	v2 =	vsub.f32 $1.500000000e+00, v4;
	v4 =	vshll.u32 v63, $0x3  }
0xf6: {  	[tilespmem:s9+$0xDA00] =	vst v0;
	v0 =	vmul.f32 v3, v7;
	v4 =	vbroadcast v4, $0x0;
	v3 =	vsub.f32 $1.500000000e+00, v5  }
0xf7: {  	[tilespmem:s11+$0xDA00] =	vst v1;
	v1 =	vmul.f32 v2, v9  }
0xf8: {  	[tilespmem:s13+$0xDA00] =	vst v0;
	v0 =	vmul.f32 v3, v61  }
0xf9: {  	[tilespmem:s23+$0xDA00] =	vst v1  }
0xfa: {  	s8 =	simm.s32 $0x8020;
	[tilespmem:s24+$0xDA00] =	vst v0  }
0xfb: {  	v0 =	vld [tilespmem:s8+$0xFFFFFFF0]  }
0xfc: {  	v1 =	vld.idx.msk [tilespmem:v4+s28+$0x0], $0xffff  }
0xfd: {  	s25 =	simm.s32 $0xA08;
	v2 =	vld [tilespmem:s8+$0xFFFFFFE0]  }
0xfe: {  	s10 =	simm.s32 $0xA10;
	s9 =	simm.s32 $0x8020;
	v4 =	vmov s25;
	v3 =	vld [tilespmem:s8+$0x0]  }
.LBB2_8:
0xff: {  	p1 =	sne.s32 s10, $0x13F8;
	v4 =	vshrl.u32 v4, $0x3  }
0x100: {  	v4 =	vshll.u32 v4, $0x3  }
0x101: {  	v4 =	vbroadcast v4, $0x0  }
0x102: {  	v0 =	vmul.f32 v0, v1;
	v2 =	vmul.f32 v2, v1  }
0x103: {  	v1 =	vmul.f32 v3, v1  }
0x104: {  	[tilespmem:s8+$0xFFFFFFE0] =	vst v2  }
.Ltmp3:
0x105: {  	s8 =	sadd.s32 $0x30, s8;
	[tilespmem:s9+$0xFFFFFFF0] =	vst v0;
	(pc) =	sbr.rel @p1 .LBB2_8-.Ltmp3, $4  }
0x106: {  	v0 =	vld [tilespmem:s8+$0xFFFFFFF0];
	[tilespmem:s9+$0x0] =	vst v1;
	s9 =	smov.u32 s8  }
0x107: {  	v1 =	vld.idx.msk [tilespmem:v4+s28+$0x0], $0xffff  }
0x108: {  	v2 =	vld [tilespmem:s8+$0xFFFFFFE0]  }
0x109: {  	v4 =	vmov s10;
	s10 =	sadd.s32 $0x8, s10;
	v3 =	vld [tilespmem:s8+$0x0]  }
0x10a: {  	v4 =	vshrl.u32 v4, $0x3  }
0x10b: {  	v4 =	vshll.u32 v4, $0x3  }
0x10c: {  	v4 =	vbroadcast v4, $0x0  }
0x10d: {  	v2 =	vmul.f32 v2, v1  }
0x10e: {  	v0 =	vmul.f32 v0, v1  }
0x10f: {  	v62 =	vmul.f32 v3, v1;
	[tilespmem:s8+$0xFFFFFFE0] =	vst v2  }
0x110: {  	s14 =	sadd.s32 $0x30, s8;
	[tilespmem:s9+$0xFFFFFFF0] =	vst v0  }
0x111: {  	v0 =	vld [tilespmem:s14+$0xFFFFFFF0];
	[tilespmem:s9+$0x0] =	vst v62  }
0x112: {  	v1 =	vld.idx.msk [tilespmem:v4+s28+$0x0], $0xffff  }
0x113: {  	v2 =	vld [tilespmem:s14+$0xFFFFFFE0];
	_ =	sdelay $0x1  }
0x114: {  	v63 =	vld [tilespmem:s14+$0x0];
	_ =	sdelay $0x2  }
0x115: {  	v2 =	vmul.f32 v2, v1  }
0x116: {  	v0 =	vmul.f32 v0, v1  }
0x117: {  	v1 =	vmul.f32 v63, v1;
	[tilespmem:s14+$0xFFFFFFE0] =	vst v2  }
0x118: {  	[tilespmem:s14+$0xFFFFFFF0] =	vst v0  }
0x119: {  	[tilespmem:s14+$0x0] =	vst v1  }
0x11a: {  	[spmem:s16] =	stream.linear.scatter [tilespmem:s26], [sflag:$0x5], $0x3C00, $0x38;
	[tilespmem:$0x1D400] =	vst v63  }
0x11b: {  	_ =	swait.ge [sflag:s22], $0x3C00  }
0x11c: {  	[sflag:s22] =	ssyncset.done $0x0  }
0x11d: {  	s8 =	sshrl.u32 @p0 s17, $0x3;
	[sflag:s22] =	ssyncadd.s32 $0xFFFFC400  }
0x11e: {  	[spmem:s8], [sflag:s7] =	dma.local @p0 [hbm:s18], $0x780  }
0x11f: {  	s7 =	simm.s32 @p0 $0x5  }
0x120: {  	_ =	swait.ge @p0 [sflag:s7], $0x780  }
0x121: {  	[sflag:s7] =	ssyncset.done @p0 $0x0  }
0x122: {  	[sflag:s7] =	ssyncadd.s32 @p0 $0xFFFFF880;
	s7 =	simm.s32 @!p0 $0x8000  }
0x123: {  	[spmem:s17] =	stream.linear.scatter @!p0 [tilespmem:s7], [sflag:$0x5], $0x3C00, $0x38;
	[tilespmem:$0x1D400] =	vst v63  }
0x124: {  	s7 =	simm.s32 @!p0 $0x5  }
0x125: {  	_ =	swait.ge @!p0 [sflag:s7], $0x3C00  }
0x126: {  	[sflag:s7] =	ssyncset.done @!p0 $0x0  }
0x127: {  	[sflag:s7] =	ssyncadd.s32 @!p0 $0xFFFFC400  }
0x128: {  	s23 =	simm.s32 $0x2;
	[bflag:$0x0] =	sbarrier.arrive $0xFFFF  }
0x129: {  	[tilespmem:s30], [sflag:$0x1] =	stream.indirect.gather [spmem:s3], $0x30, s5, s29, $0xb8;
	[tilespmem:$0x1D400] =	vst v63  }
0x12a: {  	s11 =	simm.s32 $0x1;
	s24 =	sand.u32 $0x1, s23  }
0x12b: {  	[tilespmem:s31], [sflag:$0x2] =	stream.indirect.gather [spmem:s3], $0x30, s29, s29, $0xb8;
	[tilespmem:$0x1D400] =	vst v63  }
0x12c: {  	s13 =	sand.u32 $0x1, s11;
	s10 =	smul.u32 $0x6000, s24;
	_ =	swait.ge [sflag:s1], $0x1800  }
0x12d: {  	s25 =	simm.s32 $0x2800;
	s11 =	sadd.s32 $0x1, s13;
	[sflag:s1] =	ssyncset.done $0x0  }
0x12e: {  	s10 =	sshrl.u32 s10, $0x2;
	s14 =	sadd.s32 $0x3, s24;
	[sflag:s1] =	ssyncadd.s32 $0xFFFFE800  }
0x12f: {  	[spmem:s4] =	stream.indirect.scatter.add.f32 [tilespmem:s30], [sflag:$0x3], $0x30, s25, s29, $0xb8;
	[tilespmem:$0x1D400] =	vst v63  }
0x130: {  	s23 =	sadd.s32 $0x5000, s10;
	s9 =	simm.s32 $0x3;
	_ =	swait.ge [sflag:s14], $0x1800  }
0x131: {  	s8 =	sadd.s32 $0x1, s24;
	s24 =	smul.u32 $0x6000, s13;
	[sflag:s14] =	ssyncset.done $0x0  }
0x132: {  	s13 =	sadd.s32 $0x3, s13;
	s7 =	simm.s32 $0x100;
	[sflag:s14] =	ssyncadd.s32 $0xFFFFE800  }
0x133: {  	[tilespmem:s23], [sflag:s8] =	stream.indirect.gather [spmem:s3], $0x30, s7, s29, $0xb8;
	[tilespmem:$0x1D400] =	vst v63  }
0x134: {  	s10 =	sshrl.u32 s24, $0x2;
	s8 =	simm.s32 $0x2880;
	_ =	swait.ge [sflag:s11], $0x1800  }
0x135: {  	s23 =	sadd.s32 $0x5000, s10;
	s10 =	simm.s32 $0x2880;
	[sflag:s11] =	ssyncset.done $0x0  }
.LBB2_10:
0x136: {  	[sflag:s11] =	ssyncadd.s32 $0xFFFFE800  }
0x137: {  	s8 =	sadd.s32 $0x80, s8;
	s7 =	sadd.s32 $0x80, s7;
	s11 =	smov.u32 s9  }
0x138: {  	[spmem:s4] =	stream.indirect.scatter.add.f32 [tilespmem:s23], [sflag:s13], $0x30, s10, s29, $0xb8;
	[tilespmem:$0x1D400] =	vst v63  }
0x139: {  	p1 =	sne.s32 s9, $0x4F;
	s9 =	sadd.s32 $0x1, s9;
	s13 =	sand.u32 $0x1, s11  }
0x13a: {  	s10 =	smov.u32 s8;
	s14 =	sadd.s32 $0x3, s13;
	s23 =	smul.u32 $0x6000, s13  }
0x13b: {  	s11 =	sadd.s32 $0xFFFFFFFF, s11;
	_ =	swait.ge [sflag:s14], $0x1800  }
0x13c: {  	s24 =	sand.u32 $0x1, s11;
	s23 =	sshrl.u32 s23, $0x2;
	[sflag:s14] =	ssyncset.done $0x0  }
.Ltmp4:
0x13d: {  	[sflag:s14] =	ssyncadd.s32 $0xFFFFE800;
	s14 =	sadd.s32 $0x5000, s23;
	(pc) =	sbr.rel @p1 .LBB2_10-.Ltmp4, $4  }
0x13e: {  	s13 =	sadd.s32 $0x1, s13;
	s11 =	sadd.s32 $0x1, s24;
	s23 =	smul.u32 $0x6000, s24  }
0x13f: {  	[tilespmem:s14], [sflag:s13] =	stream.indirect.gather [spmem:s3], $0x30, s7, s29, $0xb8;
	[tilespmem:$0x1D400] =	vst v63  }
0x140: {  	s13 =	sshrl.u32 s23, $0x2;
	_ =	swait.ge [sflag:s11], $0x1800  }
0x141: {  	s23 =	sadd.s32 $0x5000, s13;
	s13 =	sadd.s32 $0x3, s24;
	[sflag:s11] =	ssyncset.done $0x0  }
0x142: {  	[sflag:s11] =	ssyncadd.s32 $0xFFFFE800  }
0x143: {  	[spmem:s4] =	stream.indirect.scatter.add.f32 [tilespmem:s23], [sflag:s13], $0x30, s10, s29, $0xb8;
	[tilespmem:$0x1D400] =	vst v63  }
0x144: {  	_ =	swait.ge [sflag:s13], $0x1800  }
0x145: {  	[sflag:s13] =	ssyncset.done $0x0  }
0x146: {  	[sflag:s13] =	ssyncadd.s32 $0xFFFFE800  }
0x147: {  	_ =	swait.ge [sflag:s0], $0x1800  }
0x148: {  	[sflag:s0] =	ssyncset.done $0x0  }
0x149: {  	s7 =	simm.s32 $0x4F80;
	s24 =	simm.s32 $0x0;
	[sflag:s0] =	ssyncadd.s32 $0xFFFFE800  }
0x14a: {  	[spmem:s4] =	stream.indirect.scatter.add.f32 [tilespmem:s31], [sflag:$0x4], $0x30, s7, s29, $0xb8;
	[tilespmem:$0x1D400] =	vst v63  }
0x14b: {  	v0 =	vmov s24;
	_ =	swait.ge [sflag:s2], $0x1800  }
0x14c: {  	v0 =	vshrl.u32 v0, $0x3;
	[sflag:s2] =	ssyncset.done $0x0  }
0x14d: {  	v0 =	vshll.u32 v0, $0x3;
	[sflag:s2] =	ssyncadd.s32 $0xFFFFE800  }
0x14e: {  	v1 =	vbroadcast v0, $0x0;
	[bflag:$0x0] =	sbarrier.arrive $0xFFFF  }
0x14f: {  	[tilespmem:s26], [sflag:$0x5] =	stream.linear.gather [spmem:s12], $0x3C00, $0x38;
	[tilespmem:$0x1D400] =	vst v63  }
0x150: {  	_ =	swait.ge [sflag:s22], $0x3C00  }
0x151: {  	[sflag:s22] =	ssyncset.done $0x0  }
0x152: {  	s7 =	simm.s32 $0x8020;
	[sflag:s22] =	ssyncadd.s32 $0xFFFFC400  }
0x153: {  	v0 =	vld [tilespmem:s7+$0xFFFFFFF0]  }
0x154: {  	v1 =	vld.idx.msk [tilespmem:v1+s28+$0x0], $0xffff  }
0x155: {  	s8 =	simm.s32 $0x8;
	v2 =	vld [tilespmem:s7+$0xFFFFFFE0]  }
0x156: {  	s9 =	simm.s32 $0x10;
	v4 =	vmov s8;
	s8 =	simm.s32 $0x8020;
	v3 =	vld [tilespmem:s7+$0x0]  }
.LBB2_12:
0x157: {  	p1 =	sne.s32 s9, $0x9F8;
	v4 =	vshrl.u32 v4, $0x3  }
0x158: {  	v4 =	vshll.u32 v4, $0x3  }
0x159: {  	v4 =	vbroadcast v4, $0x0  }
0x15a: {  	v0 =	vmul.f32 v0, v1;
	v2 =	vmul.f32 v2, v1  }
0x15b: {  	v1 =	vmul.f32 v3, v1  }
0x15c: {  	[tilespmem:s7+$0xFFFFFFE0] =	vst v2  }
.Ltmp5:
0x15d: {  	s7 =	sadd.s32 $0x30, s7;
	[tilespmem:s8+$0xFFFFFFF0] =	vst v0;
	(pc) =	sbr.rel @p1 .LBB2_12-.Ltmp5, $4  }
0x15e: {  	v0 =	vld [tilespmem:s7+$0xFFFFFFF0];
	[tilespmem:s8+$0x0] =	vst v1;
	s8 =	smov.u32 s7  }
0x15f: {  	v1 =	vld.idx.msk [tilespmem:v4+s28+$0x0], $0xffff  }
0x160: {  	v2 =	vld [tilespmem:s7+$0xFFFFFFE0]  }
0x161: {  	v4 =	vmov s9;
	s9 =	sadd.s32 $0x8, s9;
	v3 =	vld [tilespmem:s7+$0x0]  }
0x162: {  	v4 =	vshrl.u32 v4, $0x3  }
0x163: {  	v4 =	vshll.u32 v4, $0x3  }
0x164: {  	v4 =	vbroadcast v4, $0x0  }
0x165: {  	v2 =	vmul.f32 v2, v1  }
0x166: {  	v0 =	vmul.f32 v0, v1  }
0x167: {  	v1 =	vmul.f32 v3, v1;
	[tilespmem:s7+$0xFFFFFFE0] =	vst v2  }
0x168: {  	s14 =	sadd.s32 $0x30, s7;
	[tilespmem:s8+$0xFFFFFFF0] =	vst v0  }
0x169: {  	v0 =	vld [tilespmem:s14+$0xFFFFFFF0];
	[tilespmem:s8+$0x0] =	vst v1  }
0x16a: {  	v1 =	vld.idx.msk [tilespmem:v4+s28+$0x0], $0xffff  }
0x16b: {  	v2 =	vld [tilespmem:s14+$0xFFFFFFE0];
	_ =	sdelay $0x1  }
0x16c: {  	v3 =	vld [tilespmem:s14+$0x0];
	_ =	sdelay $0x2  }
0x16d: {  	v2 =	vmul.f32 v2, v1  }
0x16e: {  	v0 =	vmul.f32 v0, v1  }
0x16f: {  	v1 =	vmul.f32 v3, v1;
	[tilespmem:s14+$0xFFFFFFE0] =	vst v2  }
0x170: {  	[tilespmem:s14+$0xFFFFFFF0] =	vst v0  }
0x171: {  	s23 =	simm.s32 $0xA00;
	[tilespmem:s14+$0x0] =	vst v1  }
0x172: {  	v0 =	vmov s23;
	[hbm4b:s19+s5] =	stream.linear.scatter [tilespmem:s26], [sflag:$0x5], $0x3C00, $0x38;
	[tilespmem:$0x1D400] =	vst v63  }
0x173: {  	v0 =	vshrl.u32 v0, $0x3;
	_ =	swait.ge [sflag:s22], $0x3C00  }
0x174: {  	v0 =	vshll.u32 v0, $0x3;
	[sflag:s22] =	ssyncset.done $0x0  }
0x175: {  	v1 =	vbroadcast v0, $0x0;
	[sflag:s22] =	ssyncadd.s32 $0xFFFFC400  }
0x176: {  	[tilespmem:s26], [sflag:$0x5] =	stream.linear.gather [spmem:s17], $0x3C00, $0x38;
	[tilespmem:$0x1D400] =	vst v63  }
0x177: {  	_ =	swait.ge [sflag:s22], $0x3C00  }
0x178: {  	[sflag:s22] =	ssyncset.done $0x0  }
0x179: {  	s7 =	simm.s32 $0x8020;
	[sflag:s22] =	ssyncadd.s32 $0xFFFFC400  }
0x17a: {  	v0 =	vld [tilespmem:s7+$0xFFFFFFF0]  }
0x17b: {  	v1 =	vld.idx.msk [tilespmem:v1+s28+$0x0], $0xffff  }
0x17c: {  	s24 =	simm.s32 $0xA08;
	v2 =	vld [tilespmem:s7+$0xFFFFFFE0]  }
0x17d: {  	s9 =	simm.s32 $0xA10;
	s8 =	simm.s32 $0x8020;
	v4 =	vmov s24;
	s14 =	simm.s32 $0xBC00;
	v3 =	vld [tilespmem:s7+$0x0]  }
.LBB2_14:
0x17e: {  	p1 =	sne.s32 s9, $0x13F8;
	v4 =	vshrl.u32 v4, $0x3  }
0x17f: {  	v4 =	vshll.u32 v4, $0x3  }
0x180: {  	v4 =	vbroadcast v4, $0x0  }
0x181: {  	v0 =	vmul.f32 v0, v1;
	v2 =	vmul.f32 v2, v1  }
0x182: {  	v1 =	vmul.f32 v3, v1  }
0x183: {  	[tilespmem:s7+$0xFFFFFFE0] =	vst v2  }
.Ltmp6:
0x184: {  	s7 =	sadd.s32 $0x30, s7;
	[tilespmem:s8+$0xFFFFFFF0] =	vst v0;
	(pc) =	sbr.rel @p1 .LBB2_14-.Ltmp6, $4  }
0x185: {  	v0 =	vld [tilespmem:s7+$0xFFFFFFF0];
	[tilespmem:s8+$0x0] =	vst v1;
	s8 =	smov.u32 s7  }
0x186: {  	v1 =	vld.idx.msk [tilespmem:v4+s28+$0x0], $0xffff  }
0x187: {  	v2 =	vld [tilespmem:s7+$0xFFFFFFE0]  }
0x188: {  	v4 =	vmov s9;
	s9 =	sadd.s32 $0x8, s9;
	v3 =	vld [tilespmem:s7+$0x0]  }
0x189: {  	v4 =	vshrl.u32 v4, $0x3  }
0x18a: {  	v4 =	vshll.u32 v4, $0x3  }
0x18b: {  	v4 =	vbroadcast v4, $0x0  }
0x18c: {  	v2 =	vmul.f32 v2, v1  }
0x18d: {  	v0 =	vmul.f32 v0, v1  }
0x18e: {  	v62 =	vmul.f32 v3, v1;
	[tilespmem:s7+$0xFFFFFFE0] =	vst v2  }
0x18f: {  	s24 =	sadd.s32 $0x30, s7;
	[tilespmem:s8+$0xFFFFFFF0] =	vst v0  }
0x190: {  	v0 =	vld [tilespmem:s24+$0xFFFFFFF0];
	[tilespmem:s8+$0x0] =	vst v62  }
0x191: {  	v1 =	vld.idx.msk [tilespmem:v4+s28+$0x0], $0xffff  }
0x192: {  	v2 =	vld [tilespmem:s24+$0xFFFFFFE0];
	_ =	sdelay $0x1  }
0x193: {  	v63 =	vld [tilespmem:s24+$0x0];
	_ =	sdelay $0x2  }
0x194: {  	v2 =	vmul.f32 v2, v1  }
0x195: {  	v0 =	vmul.f32 v0, v1  }
0x196: {  	s6 =	sadd.s32 $0x1, s6;
	v1 =	vmul.f32 v63, v1;
	[tilespmem:s24+$0xFFFFFFE0] =	vst v2  }
0x197: {  	p1 =	sne.s32 s6, s21;
	[tilespmem:s24+$0xFFFFFFF0] =	vst v0  }
.Ltmp7:
0x198: {  	[tilespmem:s24+$0x0] =	vst v1;
	(pc) =	sbr.rel @p1 .LBB2_1-.Ltmp7, $4  }
0x199: {  	[hbm4b:s20+s5] =	stream.linear.scatter [tilespmem:s26], [sflag:$0x5], $0x3C00, $0x38;
	[tilespmem:$0x1D400] =	vst v63  }
0x19a: {  	_ =	swait.ge [sflag:s22], $0x3C00  }
0x19b: {  	[sflag:s22] =	ssyncset.done $0x0  }
0x19c: {  	[sflag:s22] =	ssyncadd.s32 $0xFFFFC400  }
0x19d: {  	_ =	sfence.sel $0x180000  }
0x19e: {  	[bflag:$0x0] =	sbarrier.arrive $0xFFFF  }
0x19f: {  	_ =	strace $0x9000004A  }
0x1a0: {  	s0 =	stileid.u32;
	[bflag:$0x2] =	sbarrier.arrive $0xFFFF  }
0x1a1: {  	p0 =	sne.s32 s0, $0x0;
	s0 =	rddreg [dreg:$0x5]  }
0x1a2: {  	s0 =	sadd.s32 @!p0 $0x100000, s0  }
0x1a3: {  	[sflag:s0] =	ssyncadd.tile.s32 @!p0 $0x1;
	_ =	shalt  }
.Lfunc_end2:
_tile_overlayer_lowered:
.L_overlay_start_2:
0x1a4: {  	(tag) =	ssettag $0x2  }
0x1a5: {  	s0 =	rddreg [dreg:$0x0];
	s2 =	stileid.u32  }
0x1a6: {  	s1 =	rddreg [dreg:$0x1];
	p0 =	sne.s32 s2, $0x0  }
0x1a7: {  	s3 =	rddreg [dreg:$0x2];
	[bflag:$0x3] =	sbarrier.arrive $0xFFFF;
	s2 =	simm.s32 @!p0 $0x1C05  }
0x1a8: {  	[timem:s3], [sflag:s2] =	dma.local @!p0 [hbm:s0], s1  }
0x1a9: {  	s0 =	simm.s32 @!p0 $0x5  }
0x1aa: {  	_ =	swait.ge @!p0 [sflag:s0], s1  }
0x1ab: {  	s1 =	ssub.s32 @!p0 $0x0, s1;
	[sflag:s0] =	ssyncset.done @!p0 $0x0  }
0x1ac: {  	[sflag:s0] =	ssyncadd.s32 @!p0 s1  }
0x1ad: {  	[bflag:$0x3] =	sbarrier.arrive $0xFFFF  }
0x1ae: {  	_ =	shalt  }

</sc_bundles>
